<compile_context>
chip_gen: v7x
topology: tpu7x:2x2x1
jax: 0.10.2.dev20260603
libtpu: 0.0.44.dev20260713+nightly
codegen_flags: <defaults>
</compile_context>

<pallas_src>
import functools

import jax
import jax.numpy as jnp
from jax import lax
from jax.experimental import pallas as pl
from jax.experimental.pallas import tpu as pltpu
from jax.experimental.pallas import tpu_sc as plsc


def _make_sc_broadcast(B, S, D, dtype):
    info = plsc.get_sparse_core_info()
    NC, NS = info.num_cores, info.num_subcores
    NW = NC * NS
    rows_per_w = S // NW
    chunks = (8, 24, 64, 64, 64, 32)
    assert sum(chunks) == rows_per_w
    CH_MAX = max(chunks)
    n_ch = len(chunks)
    NBUF = 2
    offs = [sum(chunks[:i]) for i in range(n_ch)]
    mesh = plsc.VectorSubcoreMesh(core_axis_name="c", subcore_axis_name="s")

    @functools.partial(
        pl.kernel,
        mesh=mesh,
        out_type=jax.ShapeDtypeStruct((B, S, D), dtype),
        scratch_types=[
            pltpu.VMEM((CH_MAX, D), dtype),
            pltpu.VMEM((CH_MAX, D), dtype),
            pltpu.SemaphoreType.DMA,
            pltpu.SemaphoreType.DMA,
            pltpu.SemaphoreType.DMA,
            pltpu.SemaphoreType.DMA,
        ],
    )
    def k(table_hbm, out_hbm, buf0, buf1, in0, in1, out0, out1):
        wid = lax.axis_index("s") * NC + lax.axis_index("c")
        base = wid * rows_per_w
        bufs, in_sems, out_sems = (buf0, buf1), (in0, in1), (out0, out1)
        loads, stores = {}, {}

        def start_load(c):
            n = chunks[c]
            lo = base + offs[c]
            loads[c] = pltpu.async_copy(
                table_hbm.at[pl.ds(lo, n)],
                bufs[c % NBUF].at[pl.ds(0, n)], in_sems[c % NBUF])

        def fire_stores(c):
            n = chunks[c]
            lo = base + offs[c]
            stores[c] = [
                pltpu.async_copy(
                    bufs[c % NBUF].at[pl.ds(0, n)],
                    out_hbm.at[b, pl.ds(lo, n)], out_sems[c % NBUF])
                for b in range(B)
            ]

        for c in range(min(NBUF, n_ch)):
            start_load(c)
        for c in range(n_ch):
            if c >= NBUF:
                for h in stores.pop(c - NBUF):
                    h.wait()
                start_load(c)
            loads.pop(c).wait()
            fire_stores(c)
        for c in sorted(stores):
            for h in stores.pop(c):
                h.wait()

    return k


def kernel(inputs, table):
    B, S = inputs.shape
    V, D = table.shape
    return _make_sc_broadcast(B, S, D, table.dtype)(table)

# --- scband reference (transcript-rebuilt; emitter-appended) ---
"""Pipeline reference for scband-positional-embedding-2448131358970 (READ-ONLY COPY).

The authoritative reference and input builder live on the scoring server;
editing this copy changes nothing except your own understanding.
"""

import jax, jax.numpy as jnp
import numpy as np

N_SEQ = 8192
D_MODEL = 768

def _sinusoid_table(n_seq, d_model):
    angles = np.array([np.power(10000, 2 * (i // 2) / d_model) for i in range(d_model)], dtype=np.float64)
    pos = np.arange(n_seq, dtype=np.float64)[:, None] / angles[None, :]
    pos[:, 0::2] = np.sin(pos[:, 0::2])
    pos[:, 1::2] = np.cos(pos[:, 1::2])
    return jnp.asarray(pos, dtype=jnp.float32)

def setup_inputs(seed: int = 0) -> dict:
    key = jax.random.key(seed)
    inputs = jax.random.randint(key, (4, 8192), 0, 32000, dtype=jnp.int64)
    table = _sinusoid_table(N_SEQ, D_MODEL)
    return {"inputs": inputs, "table": table}

def reference(inputs, table):
    # exclusive cumsum of ones along axis=1 -> positions 0..S-1
    ones = jnp.ones_like(inputs, dtype=jnp.int32)
    position = jnp.cumsum(ones, axis=1) - 1
    position = position.astype(jnp.int32)
    embed = jnp.take(table, position, axis=0)
    return embed

if __name__ == "__main__":
    import jax
    _d = setup_inputs()
    print(jax.jit(kernel)(*tuple(_d.values())))

</pallas_src>

<mosaic_0001>
#map = affine_map<(d0, d1) -> (0, 0)>
#map1 = affine_map<(d0, d1) -> (0, 0, 0)>
module attributes {stable_mosaic.version = 14 : i64} {
  func.func @k(%arg0: i32, %arg1: i32, %arg2: memref<8192x768xf32, #tpu.memory_space<hbm>>, %arg3: memref<4x8192x768xf32, #tpu.memory_space<hbm>>, %arg4: memref<64x768xf32, #tpu.memory_space<vmem>>, %arg5: memref<64x768xf32, #tpu.memory_space<vmem>>, %arg6: memref<!tpu.dma_semaphore, #tpu.memory_space<semaphore_mem>>, %arg7: memref<!tpu.dma_semaphore, #tpu.memory_space<semaphore_mem>>, %arg8: memref<!tpu.dma_semaphore, #tpu.memory_space<semaphore_mem>>, %arg9: memref<!tpu.dma_semaphore, #tpu.memory_space<semaphore_mem>>) attributes {dimension_semantics = [#tpu.dimension_semantics<core_parallel>, #tpu.dimension_semantics<subcore_parallel>], iteration_bounds = array<i64: 2, 16>, scalar_prefetch = 0 : i64, scratch_operands = 6 : i64, tpu.core_type = #tpu.core_type<sc_vector_subcore>, window_params = [{transform_indices = #map}, {transform_indices = #map1}]} {
    %mul3A = arith.constant 2 : i32
    %mul3A_0 = arith.muli %arg1, %mul3A : i32
    %add3A = arith.addi %mul3A_0, %arg0 : i32
    %mul3A_1 = arith.constant 256 : i32
    %mul3A_2 = arith.muli %add3A, %mul3A_1 : i32
    %add3A_3 = arith.constant 0 : i32
    %add3A_4 = arith.addi %mul3A_2, %add3A_3 : i32
    %dma_start3A = arith.constant 0 : i32
    %dma_start3A_5 = arith.constant 0 : i32
    %dma_start3A_6 = tpu.memref_slice %arg4[%dma_start3A, %dma_start3A_5] : memref<64x768xf32, #tpu.memory_space<vmem>> -> memref<8x768xf32, #tpu.memory_space<vmem>>
    %dma_start3A_7 = arith.constant 0 : i32
    %dma_start3A_8 = tpu.memref_slice %arg2[%add3A_4, %dma_start3A_7] : memref<8192x768xf32, #tpu.memory_space<hbm>> -> memref<8x768xf32, #tpu.memory_space<hbm>>
    %dma_start3A_9 = arith.constant 0 : i32
    %dma_start3A_10 = arith.constant 0 : i32
    %dma_start3A_11 = tpu.memref_slice %arg4[%dma_start3A_9, %dma_start3A_10] : memref<64x768xf32, #tpu.memory_space<vmem>> -> memref<8x768xf32, #tpu.memory_space<vmem>>
    %dma_start3A_12 = arith.constant 0 : i32
    %dma_start3A_13 = tpu.memref_slice %arg2[%add3A_4, %dma_start3A_12] : memref<8192x768xf32, #tpu.memory_space<hbm>> -> memref<8x768xf32, #tpu.memory_space<hbm>>
    tpu.enqueue_dma source(%dma_start3A_13 : memref<8x768xf32, #tpu.memory_space<hbm>>) target(%dma_start3A_11 : memref<8x768xf32, #tpu.memory_space<vmem>>) target_semaphore(%arg6 : memref<!tpu.dma_semaphore, #tpu.memory_space<semaphore_mem>>)
    %add3A_14 = arith.constant 8 : i32
    %add3A_15 = arith.addi %mul3A_2, %add3A_14 : i32
    %dma_start3A_16 = arith.constant 0 : i32
    %dma_start3A_17 = arith.constant 0 : i32
    %dma_start3A_18 = tpu.memref_slice %arg5[%dma_start3A_16, %dma_start3A_17] : memref<64x768xf32, #tpu.memory_space<vmem>> -> memref<24x768xf32, #tpu.memory_space<vmem>>
    %dma_start3A_19 = arith.constant 0 : i32
    %dma_start3A_20 = tpu.memref_slice %arg2[%add3A_15, %dma_start3A_19] : memref<8192x768xf32, #tpu.memory_space<hbm>> -> memref<24x768xf32, #tpu.memory_space<hbm>>
    %dma_start3A_21 = arith.constant 0 : i32
    %dma_start3A_22 = arith.constant 0 : i32
    %dma_start3A_23 = tpu.memref_slice %arg5[%dma_start3A_21, %dma_start3A_22] : memref<64x768xf32, #tpu.memory_space<vmem>> -> memref<24x768xf32, #tpu.memory_space<vmem>>
    %dma_start3A_24 = arith.constant 0 : i32
    %dma_start3A_25 = tpu.memref_slice %arg2[%add3A_15, %dma_start3A_24] : memref<8192x768xf32, #tpu.memory_space<hbm>> -> memref<24x768xf32, #tpu.memory_space<hbm>>
    tpu.enqueue_dma source(%dma_start3A_25 : memref<24x768xf32, #tpu.memory_space<hbm>>) target(%dma_start3A_23 : memref<24x768xf32, #tpu.memory_space<vmem>>) target_semaphore(%arg7 : memref<!tpu.dma_semaphore, #tpu.memory_space<semaphore_mem>>)
    %dma_wait3A = arith.constant 0 : i32
    %dma_wait3A_26 = arith.constant 0 : i32
    %dma_wait3A_27 = tpu.memref_slice %arg4[%dma_wait3A, %dma_wait3A_26] : memref<64x768xf32, #tpu.memory_space<vmem>> -> memref<8x768xf32, #tpu.memory_space<vmem>>
    %dma_wait3A_28 = arith.constant 0 : i32
    %dma_wait3A_29 = tpu.memref_slice %arg2[%add3A_4, %dma_wait3A_28] : memref<8192x768xf32, #tpu.memory_space<hbm>> -> memref<8x768xf32, #tpu.memory_space<hbm>>
    %dma_wait3A_30 = arith.constant 0 : i32
    %dma_wait3A_31 = arith.constant 0 : i32
    %dma_wait3A_32 = tpu.memref_slice %arg4[%dma_wait3A_30, %dma_wait3A_31] : memref<64x768xf32, #tpu.memory_space<vmem>> -> memref<8x768xf32, #tpu.memory_space<vmem>>
    %dma_wait3A_33 = arith.constant 0 : i32
    %dma_wait3A_34 = tpu.memref_slice %arg2[%add3A_4, %dma_wait3A_33] : memref<8192x768xf32, #tpu.memory_space<hbm>> -> memref<8x768xf32, #tpu.memory_space<hbm>>
    tpu.wait_dma2 semaphore(%arg6 : memref<!tpu.dma_semaphore, #tpu.memory_space<semaphore_mem>>) src(%dma_wait3A_34 : memref<8x768xf32, #tpu.memory_space<hbm>>) dst(%dma_wait3A_32 : memref<8x768xf32, #tpu.memory_space<vmem>>)
    %add3A_35 = arith.constant 0 : i32
    %add3A_36 = arith.addi %mul3A_2, %add3A_35 : i32
    %dma_start3A_37 = arith.constant 0 : i32
    %dma_start3A_38 = arith.constant 0 : i32
    %dma_start3A_39 = arith.constant 0 : i32
    %dma_start3A_40 = tpu.memref_slice %arg4[%dma_start3A_38, %dma_start3A_39] : memref<64x768xf32, #tpu.memory_space<vmem>> -> memref<8x768xf32, #tpu.memory_space<vmem>>
    %dma_start3A_41 = arith.constant 0 : i32
    %dma_start3A_42 = tpu.memref_slice %arg3[%dma_start3A_37, %add3A_36, %dma_start3A_41] : memref<4x8192x768xf32, #tpu.memory_space<hbm>> -> memref<1x8x768xf32, #tpu.memory_space<hbm>>
    %dma_start3A_43 = tpu.memref_squeeze %dma_start3A_42 : memref<1x8x768xf32, #tpu.memory_space<hbm>> -> memref<8x768xf32, #tpu.memory_space<hbm>>
    %dma_start3A_44 = arith.constant 0 : i32
    %dma_start3A_45 = tpu.memref_slice %arg3[%dma_start3A_37, %add3A_36, %dma_start3A_44] : memref<4x8192x768xf32, #tpu.memory_space<hbm>> -> memref<1x8x768xf32, #tpu.memory_space<hbm>>
    %dma_start3A_46 = tpu.memref_squeeze %dma_start3A_45 : memref<1x8x768xf32, #tpu.memory_space<hbm>> -> memref<8x768xf32, #tpu.memory_space<hbm>>
    %dma_start3A_47 = arith.constant 0 : i32
    %dma_start3A_48 = arith.constant 0 : i32
    %dma_start3A_49 = tpu.memref_slice %arg4[%dma_start3A_47, %dma_start3A_48] : memref<64x768xf32, #tpu.memory_space<vmem>> -> memref<8x768xf32, #tpu.memory_space<vmem>>
    tpu.enqueue_dma source(%dma_start3A_49 : memref<8x768xf32, #tpu.memory_space<vmem>>) target(%dma_start3A_46 : memref<8x768xf32, #tpu.memory_space<hbm>>) target_semaphore(%arg8 : memref<!tpu.dma_semaphore, #tpu.memory_space<semaphore_mem>>)
    %dma_start3A_50 = arith.constant 1 : i32
    %dma_start3A_51 = arith.constant 0 : i32
    %dma_start3A_52 = arith.constant 0 : i32
    %dma_start3A_53 = tpu.memref_slice %arg4[%dma_start3A_51, %dma_start3A_52] : memref<64x768xf32, #tpu.memory_space<vmem>> -> memref<8x768xf32, #tpu.memory_space<vmem>>
    %dma_start3A_54 = arith.constant 0 : i32
    %dma_start3A_55 = tpu.memref_slice %arg3[%dma_start3A_50, %add3A_36, %dma_start3A_54] : memref<4x8192x768xf32, #tpu.memory_space<hbm>> -> memref<1x8x768xf32, #tpu.memory_space<hbm>>
    %dma_start3A_56 = tpu.memref_squeeze %dma_start3A_55 : memref<1x8x768xf32, #tpu.memory_space<hbm>> -> memref<8x768xf32, #tpu.memory_space<hbm>>
    %dma_start3A_57 = arith.constant 0 : i32
    %dma_start3A_58 = tpu.memref_slice %arg3[%dma_start3A_50, %add3A_36, %dma_start3A_57] : memref<4x8192x768xf32, #tpu.memory_space<hbm>> -> memref<1x8x768xf32, #tpu.memory_space<hbm>>
    %dma_start3A_59 = tpu.memref_squeeze %dma_start3A_58 : memref<1x8x768xf32, #tpu.memory_space<hbm>> -> memref<8x768xf32, #tpu.memory_space<hbm>>
    %dma_start3A_60 = arith.constant 0 : i32
    %dma_start3A_61 = arith.constant 0 : i32
    %dma_start3A_62 = tpu.memref_slice %arg4[%dma_start3A_60, %dma_start3A_61] : memref<64x768xf32, #tpu.memory_space<vmem>> -> memref<8x768xf32, #tpu.memory_space<vmem>>
    tpu.enqueue_dma source(%dma_start3A_62 : memref<8x768xf32, #tpu.memory_space<vmem>>) target(%dma_start3A_59 : memref<8x768xf32, #tpu.memory_space<hbm>>) target_semaphore(%arg8 : memref<!tpu.dma_semaphore, #tpu.memory_space<semaphore_mem>>)
    %dma_start3A_63 = arith.constant 2 : i32
    %dma_start3A_64 = arith.constant 0 : i32
    %dma_start3A_65 = arith.constant 0 : i32
    %dma_start3A_66 = tpu.memref_slice %arg4[%dma_start3A_64, %dma_start3A_65] : memref<64x768xf32, #tpu.memory_space<vmem>> -> memref<8x768xf32, #tpu.memory_space<vmem>>
    %dma_start3A_67 = arith.constant 0 : i32
    %dma_start3A_68 = tpu.memref_slice %arg3[%dma_start3A_63, %add3A_36, %dma_start3A_67] : memref<4x8192x768xf32, #tpu.memory_space<hbm>> -> memref<1x8x768xf32, #tpu.memory_space<hbm>>
    %dma_start3A_69 = tpu.memref_squeeze %dma_start3A_68 : memref<1x8x768xf32, #tpu.memory_space<hbm>> -> memref<8x768xf32, #tpu.memory_space<hbm>>
    %dma_start3A_70 = arith.constant 0 : i32
    %dma_start3A_71 = tpu.memref_slice %arg3[%dma_start3A_63, %add3A_36, %dma_start3A_70] : memref<4x8192x768xf32, #tpu.memory_space<hbm>> -> memref<1x8x768xf32, #tpu.memory_space<hbm>>
    %dma_start3A_72 = tpu.memref_squeeze %dma_start3A_71 : memref<1x8x768xf32, #tpu.memory_space<hbm>> -> memref<8x768xf32, #tpu.memory_space<hbm>>
    %dma_start3A_73 = arith.constant 0 : i32
    %dma_start3A_74 = arith.constant 0 : i32
    %dma_start3A_75 = tpu.memref_slice %arg4[%dma_start3A_73, %dma_start3A_74] : memref<64x768xf32, #tpu.memory_space<vmem>> -> memref<8x768xf32, #tpu.memory_space<vmem>>
    tpu.enqueue_dma source(%dma_start3A_75 : memref<8x768xf32, #tpu.memory_space<vmem>>) target(%dma_start3A_72 : memref<8x768xf32, #tpu.memory_space<hbm>>) target_semaphore(%arg8 : memref<!tpu.dma_semaphore, #tpu.memory_space<semaphore_mem>>)
    %dma_start3A_76 = arith.constant 3 : i32
    %dma_start3A_77 = arith.constant 0 : i32
    %dma_start3A_78 = arith.constant 0 : i32
    %dma_start3A_79 = tpu.memref_slice %arg4[%dma_start3A_77, %dma_start3A_78] : memref<64x768xf32, #tpu.memory_space<vmem>> -> memref<8x768xf32, #tpu.memory_space<vmem>>
    %dma_start3A_80 = arith.constant 0 : i32
    %dma_start3A_81 = tpu.memref_slice %arg3[%dma_start3A_76, %add3A_36, %dma_start3A_80] : memref<4x8192x768xf32, #tpu.memory_space<hbm>> -> memref<1x8x768xf32, #tpu.memory_space<hbm>>
    %dma_start3A_82 = tpu.memref_squeeze %dma_start3A_81 : memref<1x8x768xf32, #tpu.memory_space<hbm>> -> memref<8x768xf32, #tpu.memory_space<hbm>>
    %dma_start3A_83 = arith.constant 0 : i32
    %dma_start3A_84 = tpu.memref_slice %arg3[%dma_start3A_76, %add3A_36, %dma_start3A_83] : memref<4x8192x768xf32, #tpu.memory_space<hbm>> -> memref<1x8x768xf32, #tpu.memory_space<hbm>>
    %dma_start3A_85 = tpu.memref_squeeze %dma_start3A_84 : memref<1x8x768xf32, #tpu.memory_space<hbm>> -> memref<8x768xf32, #tpu.memory_space<hbm>>
    %dma_start3A_86 = arith.constant 0 : i32
    %dma_start3A_87 = arith.constant 0 : i32
    %dma_start3A_88 = tpu.memref_slice %arg4[%dma_start3A_86, %dma_start3A_87] : memref<64x768xf32, #tpu.memory_space<vmem>> -> memref<8x768xf32, #tpu.memory_space<vmem>>
    tpu.enqueue_dma source(%dma_start3A_88 : memref<8x768xf32, #tpu.memory_space<vmem>>) target(%dma_start3A_85 : memref<8x768xf32, #tpu.memory_space<hbm>>) target_semaphore(%arg8 : memref<!tpu.dma_semaphore, #tpu.memory_space<semaphore_mem>>)
    %dma_wait3A_89 = arith.constant 0 : i32
    %dma_wait3A_90 = arith.constant 0 : i32
    %dma_wait3A_91 = tpu.memref_slice %arg5[%dma_wait3A_89, %dma_wait3A_90] : memref<64x768xf32, #tpu.memory_space<vmem>> -> memref<24x768xf32, #tpu.memory_space<vmem>>
    %dma_wait3A_92 = arith.constant 0 : i32
    %dma_wait3A_93 = tpu.memref_slice %arg2[%add3A_15, %dma_wait3A_92] : memref<8192x768xf32, #tpu.memory_space<hbm>> -> memref<24x768xf32, #tpu.memory_space<hbm>>
    %dma_wait3A_94 = arith.constant 0 : i32
    %dma_wait3A_95 = arith.constant 0 : i32
    %dma_wait3A_96 = tpu.memref_slice %arg5[%dma_wait3A_94, %dma_wait3A_95] : memref<64x768xf32, #tpu.memory_space<vmem>> -> memref<24x768xf32, #tpu.memory_space<vmem>>
    %dma_wait3A_97 = arith.constant 0 : i32
    %dma_wait3A_98 = tpu.memref_slice %arg2[%add3A_15, %dma_wait3A_97] : memref<8192x768xf32, #tpu.memory_space<hbm>> -> memref<24x768xf32, #tpu.memory_space<hbm>>
    tpu.wait_dma2 semaphore(%arg7 : memref<!tpu.dma_semaphore, #tpu.memory_space<semaphore_mem>>) src(%dma_wait3A_98 : memref<24x768xf32, #tpu.memory_space<hbm>>) dst(%dma_wait3A_96 : memref<24x768xf32, #tpu.memory_space<vmem>>)
    %add3A_99 = arith.constant 8 : i32
    %add3A_100 = arith.addi %mul3A_2, %add3A_99 : i32
    %dma_start3A_101 = arith.constant 0 : i32
    %dma_start3A_102 = arith.constant 0 : i32
    %dma_start3A_103 = arith.constant 0 : i32
    %dma_start3A_104 = tpu.memref_slice %arg5[%dma_start3A_102, %dma_start3A_103] : memref<64x768xf32, #tpu.memory_space<vmem>> -> memref<24x768xf32, #tpu.memory_space<vmem>>
    %dma_start3A_105 = arith.constant 0 : i32
    %dma_start3A_106 = tpu.memref_slice %arg3[%dma_start3A_101, %add3A_100, %dma_start3A_105] : memref<4x8192x768xf32, #tpu.memory_space<hbm>> -> memref<1x24x768xf32, #tpu.memory_space<hbm>>
    %dma_start3A_107 = tpu.memref_squeeze %dma_start3A_106 : memref<1x24x768xf32, #tpu.memory_space<hbm>> -> memref<24x768xf32, #tpu.memory_space<hbm>>
    %dma_start3A_108 = arith.constant 0 : i32
    %dma_start3A_109 = tpu.memref_slice %arg3[%dma_start3A_101, %add3A_100, %dma_start3A_108] : memref<4x8192x768xf32, #tpu.memory_space<hbm>> -> memref<1x24x768xf32, #tpu.memory_space<hbm>>
    %dma_start3A_110 = tpu.memref_squeeze %dma_start3A_109 : memref<1x24x768xf32, #tpu.memory_space<hbm>> -> memref<24x768xf32, #tpu.memory_space<hbm>>
    %dma_start3A_111 = arith.constant 0 : i32
    %dma_start3A_112 = arith.constant 0 : i32
    %dma_start3A_113 = tpu.memref_slice %arg5[%dma_start3A_111, %dma_start3A_112] : memref<64x768xf32, #tpu.memory_space<vmem>> -> memref<24x768xf32, #tpu.memory_space<vmem>>
    tpu.enqueue_dma source(%dma_start3A_113 : memref<24x768xf32, #tpu.memory_space<vmem>>) target(%dma_start3A_110 : memref<24x768xf32, #tpu.memory_space<hbm>>) target_semaphore(%arg9 : memref<!tpu.dma_semaphore, #tpu.memory_space<semaphore_mem>>)
    %dma_start3A_114 = arith.constant 1 : i32
    %dma_start3A_115 = arith.constant 0 : i32
    %dma_start3A_116 = arith.constant 0 : i32
    %dma_start3A_117 = tpu.memref_slice %arg5[%dma_start3A_115, %dma_start3A_116] : memref<64x768xf32, #tpu.memory_space<vmem>> -> memref<24x768xf32, #tpu.memory_space<vmem>>
    %dma_start3A_118 = arith.constant 0 : i32
    %dma_start3A_119 = tpu.memref_slice %arg3[%dma_start3A_114, %add3A_100, %dma_start3A_118] : memref<4x8192x768xf32, #tpu.memory_space<hbm>> -> memref<1x24x768xf32, #tpu.memory_space<hbm>>
    %dma_start3A_120 = tpu.memref_squeeze %dma_start3A_119 : memref<1x24x768xf32, #tpu.memory_space<hbm>> -> memref<24x768xf32, #tpu.memory_space<hbm>>
    %dma_start3A_121 = arith.constant 0 : i32
    %dma_start3A_122 = tpu.memref_slice %arg3[%dma_start3A_114, %add3A_100, %dma_start3A_121] : memref<4x8192x768xf32, #tpu.memory_space<hbm>> -> memref<1x24x768xf32, #tpu.memory_space<hbm>>
    %dma_start3A_123 = tpu.memref_squeeze %dma_start3A_122 : memref<1x24x768xf32, #tpu.memory_space<hbm>> -> memref<24x768xf32, #tpu.memory_space<hbm>>
    %dma_start3A_124 = arith.constant 0 : i32
    %dma_start3A_125 = arith.constant 0 : i32
    %dma_start3A_126 = tpu.memref_slice %arg5[%dma_start3A_124, %dma_start3A_125] : memref<64x768xf32, #tpu.memory_space<vmem>> -> memref<24x768xf32, #tpu.memory_space<vmem>>
    tpu.enqueue_dma source(%dma_start3A_126 : memref<24x768xf32, #tpu.memory_space<vmem>>) target(%dma_start3A_123 : memref<24x768xf32, #tpu.memory_space<hbm>>) target_semaphore(%arg9 : memref<!tpu.dma_semaphore, #tpu.memory_space<semaphore_mem>>)
    %dma_start3A_127 = arith.constant 2 : i32
    %dma_start3A_128 = arith.constant 0 : i32
    %dma_start3A_129 = arith.constant 0 : i32
    %dma_start3A_130 = tpu.memref_slice %arg5[%dma_start3A_128, %dma_start3A_129] : memref<64x768xf32, #tpu.memory_space<vmem>> -> memref<24x768xf32, #tpu.memory_space<vmem>>
    %dma_start3A_131 = arith.constant 0 : i32
    %dma_start3A_132 = tpu.memref_slice %arg3[%dma_start3A_127, %add3A_100, %dma_start3A_131] : memref<4x8192x768xf32, #tpu.memory_space<hbm>> -> memref<1x24x768xf32, #tpu.memory_space<hbm>>
    %dma_start3A_133 = tpu.memref_squeeze %dma_start3A_132 : memref<1x24x768xf32, #tpu.memory_space<hbm>> -> memref<24x768xf32, #tpu.memory_space<hbm>>
    %dma_start3A_134 = arith.constant 0 : i32
    %dma_start3A_135 = tpu.memref_slice %arg3[%dma_start3A_127, %add3A_100, %dma_start3A_134] : memref<4x8192x768xf32, #tpu.memory_space<hbm>> -> memref<1x24x768xf32, #tpu.memory_space<hbm>>
    %dma_start3A_136 = tpu.memref_squeeze %dma_start3A_135 : memref<1x24x768xf32, #tpu.memory_space<hbm>> -> memref<24x768xf32, #tpu.memory_space<hbm>>
    %dma_start3A_137 = arith.constant 0 : i32
    %dma_start3A_138 = arith.constant 0 : i32
    %dma_start3A_139 = tpu.memref_slice %arg5[%dma_start3A_137, %dma_start3A_138] : memref<64x768xf32, #tpu.memory_space<vmem>> -> memref<24x768xf32, #tpu.memory_space<vmem>>
    tpu.enqueue_dma source(%dma_start3A_139 : memref<24x768xf32, #tpu.memory_space<vmem>>) target(%dma_start3A_136 : memref<24x768xf32, #tpu.memory_space<hbm>>) target_semaphore(%arg9 : memref<!tpu.dma_semaphore, #tpu.memory_space<semaphore_mem>>)
    %dma_start3A_140 = arith.constant 3 : i32
    %dma_start3A_141 = arith.constant 0 : i32
    %dma_start3A_142 = arith.constant 0 : i32
    %dma_start3A_143 = tpu.memref_slice %arg5[%dma_start3A_141, %dma_start3A_142] : memref<64x768xf32, #tpu.memory_space<vmem>> -> memref<24x768xf32, #tpu.memory_space<vmem>>
    %dma_start3A_144 = arith.constant 0 : i32
    %dma_start3A_145 = tpu.memref_slice %arg3[%dma_start3A_140, %add3A_100, %dma_start3A_144] : memref<4x8192x768xf32, #tpu.memory_space<hbm>> -> memref<1x24x768xf32, #tpu.memory_space<hbm>>
    %dma_start3A_146 = tpu.memref_squeeze %dma_start3A_145 : memref<1x24x768xf32, #tpu.memory_space<hbm>> -> memref<24x768xf32, #tpu.memory_space<hbm>>
    %dma_start3A_147 = arith.constant 0 : i32
    %dma_start3A_148 = tpu.memref_slice %arg3[%dma_start3A_140, %add3A_100, %dma_start3A_147] : memref<4x8192x768xf32, #tpu.memory_space<hbm>> -> memref<1x24x768xf32, #tpu.memory_space<hbm>>
    %dma_start3A_149 = tpu.memref_squeeze %dma_start3A_148 : memref<1x24x768xf32, #tpu.memory_space<hbm>> -> memref<24x768xf32, #tpu.memory_space<hbm>>
    %dma_start3A_150 = arith.constant 0 : i32
    %dma_start3A_151 = arith.constant 0 : i32
    %dma_start3A_152 = tpu.memref_slice %arg5[%dma_start3A_150, %dma_start3A_151] : memref<64x768xf32, #tpu.memory_space<vmem>> -> memref<24x768xf32, #tpu.memory_space<vmem>>
    tpu.enqueue_dma source(%dma_start3A_152 : memref<24x768xf32, #tpu.memory_space<vmem>>) target(%dma_start3A_149 : memref<24x768xf32, #tpu.memory_space<hbm>>) target_semaphore(%arg9 : memref<!tpu.dma_semaphore, #tpu.memory_space<semaphore_mem>>)
    %dma_wait3A_153 = arith.constant 0 : i32
    %dma_wait3A_154 = arith.constant 0 : i32
    %dma_wait3A_155 = arith.constant 0 : i32
    %dma_wait3A_156 = tpu.memref_slice %arg4[%dma_wait3A_154, %dma_wait3A_155] : memref<64x768xf32, #tpu.memory_space<vmem>> -> memref<8x768xf32, #tpu.memory_space<vmem>>
    %dma_wait3A_157 = arith.constant 0 : i32
    %dma_wait3A_158 = tpu.memref_slice %arg3[%dma_wait3A_153, %add3A_36, %dma_wait3A_157] : memref<4x8192x768xf32, #tpu.memory_space<hbm>> -> memref<1x8x768xf32, #tpu.memory_space<hbm>>
    %dma_wait3A_159 = tpu.memref_squeeze %dma_wait3A_158 : memref<1x8x768xf32, #tpu.memory_space<hbm>> -> memref<8x768xf32, #tpu.memory_space<hbm>>
    %dma_wait3A_160 = arith.constant 0 : i32
    %dma_wait3A_161 = tpu.memref_slice %arg3[%dma_wait3A_153, %add3A_36, %dma_wait3A_160] : memref<4x8192x768xf32, #tpu.memory_space<hbm>> -> memref<1x8x768xf32, #tpu.memory_space<hbm>>
    %dma_wait3A_162 = tpu.memref_squeeze %dma_wait3A_161 : memref<1x8x768xf32, #tpu.memory_space<hbm>> -> memref<8x768xf32, #tpu.memory_space<hbm>>
    %dma_wait3A_163 = arith.constant 0 : i32
    %dma_wait3A_164 = arith.constant 0 : i32
    %dma_wait3A_165 = tpu.memref_slice %arg4[%dma_wait3A_163, %dma_wait3A_164] : memref<64x768xf32, #tpu.memory_space<vmem>> -> memref<8x768xf32, #tpu.memory_space<vmem>>
    tpu.wait_dma2 semaphore(%arg8 : memref<!tpu.dma_semaphore, #tpu.memory_space<semaphore_mem>>) src(%dma_wait3A_165 : memref<8x768xf32, #tpu.memory_space<vmem>>) dst(%dma_wait3A_162 : memref<8x768xf32, #tpu.memory_space<hbm>>)
    %dma_wait3A_166 = arith.constant 1 : i32
    %dma_wait3A_167 = arith.constant 0 : i32
    %dma_wait3A_168 = arith.constant 0 : i32
    %dma_wait3A_169 = tpu.memref_slice %arg4[%dma_wait3A_167, %dma_wait3A_168] : memref<64x768xf32, #tpu.memory_space<vmem>> -> memref<8x768xf32, #tpu.memory_space<vmem>>
    %dma_wait3A_170 = arith.constant 0 : i32
    %dma_wait3A_171 = tpu.memref_slice %arg3[%dma_wait3A_166, %add3A_36, %dma_wait3A_170] : memref<4x8192x768xf32, #tpu.memory_space<hbm>> -> memref<1x8x768xf32, #tpu.memory_space<hbm>>
    %dma_wait3A_172 = tpu.memref_squeeze %dma_wait3A_171 : memref<1x8x768xf32, #tpu.memory_space<hbm>> -> memref<8x768xf32, #tpu.memory_space<hbm>>
    %dma_wait3A_173 = arith.constant 0 : i32
    %dma_wait3A_174 = tpu.memref_slice %arg3[%dma_wait3A_166, %add3A_36, %dma_wait3A_173] : memref<4x8192x768xf32, #tpu.memory_space<hbm>> -> memref<1x8x768xf32, #tpu.memory_space<hbm>>
    %dma_wait3A_175 = tpu.memref_squeeze %dma_wait3A_174 : memref<1x8x768xf32, #tpu.memory_space<hbm>> -> memref<8x768xf32, #tpu.memory_space<hbm>>
    %dma_wait3A_176 = arith.constant 0 : i32
    %dma_wait3A_177 = arith.constant 0 : i32
    %dma_wait3A_178 = tpu.memref_slice %arg4[%dma_wait3A_176, %dma_wait3A_177] : memref<64x768xf32, #tpu.memory_space<vmem>> -> memref<8x768xf32, #tpu.memory_space<vmem>>
    tpu.wait_dma2 semaphore(%arg8 : memref<!tpu.dma_semaphore, #tpu.memory_space<semaphore_mem>>) src(%dma_wait3A_178 : memref<8x768xf32, #tpu.memory_space<vmem>>) dst(%dma_wait3A_175 : memref<8x768xf32, #tpu.memory_space<hbm>>)
    %dma_wait3A_179 = arith.constant 2 : i32
    %dma_wait3A_180 = arith.constant 0 : i32
    %dma_wait3A_181 = arith.constant 0 : i32
    %dma_wait3A_182 = tpu.memref_slice %arg4[%dma_wait3A_180, %dma_wait3A_181] : memref<64x768xf32, #tpu.memory_space<vmem>> -> memref<8x768xf32, #tpu.memory_space<vmem>>
    %dma_wait3A_183 = arith.constant 0 : i32
    %dma_wait3A_184 = tpu.memref_slice %arg3[%dma_wait3A_179, %add3A_36, %dma_wait3A_183] : memref<4x8192x768xf32, #tpu.memory_space<hbm>> -> memref<1x8x768xf32, #tpu.memory_space<hbm>>
    %dma_wait3A_185 = tpu.memref_squeeze %dma_wait3A_184 : memref<1x8x768xf32, #tpu.memory_space<hbm>> -> memref<8x768xf32, #tpu.memory_space<hbm>>
    %dma_wait3A_186 = arith.constant 0 : i32
    %dma_wait3A_187 = tpu.memref_slice %arg3[%dma_wait3A_179, %add3A_36, %dma_wait3A_186] : memref<4x8192x768xf32, #tpu.memory_space<hbm>> -> memref<1x8x768xf32, #tpu.memory_space<hbm>>
    %dma_wait3A_188 = tpu.memref_squeeze %dma_wait3A_187 : memref<1x8x768xf32, #tpu.memory_space<hbm>> -> memref<8x768xf32, #tpu.memory_space<hbm>>
    %dma_wait3A_189 = arith.constant 0 : i32
    %dma_wait3A_190 = arith.constant 0 : i32
    %dma_wait3A_191 = tpu.memref_slice %arg4[%dma_wait3A_189, %dma_wait3A_190] : memref<64x768xf32, #tpu.memory_space<vmem>> -> memref<8x768xf32, #tpu.memory_space<vmem>>
    tpu.wait_dma2 semaphore(%arg8 : memref<!tpu.dma_semaphore, #tpu.memory_space<semaphore_mem>>) src(%dma_wait3A_191 : memref<8x768xf32, #tpu.memory_space<vmem>>) dst(%dma_wait3A_188 : memref<8x768xf32, #tpu.memory_space<hbm>>)
    %dma_wait3A_192 = arith.constant 3 : i32
    %dma_wait3A_193 = arith.constant 0 : i32
    %dma_wait3A_194 = arith.constant 0 : i32
    %dma_wait3A_195 = tpu.memref_slice %arg4[%dma_wait3A_193, %dma_wait3A_194] : memref<64x768xf32, #tpu.memory_space<vmem>> -> memref<8x768xf32, #tpu.memory_space<vmem>>
    %dma_wait3A_196 = arith.constant 0 : i32
    %dma_wait3A_197 = tpu.memref_slice %arg3[%dma_wait3A_192, %add3A_36, %dma_wait3A_196] : memref<4x8192x768xf32, #tpu.memory_space<hbm>> -> memref<1x8x768xf32, #tpu.memory_space<hbm>>
    %dma_wait3A_198 = tpu.memref_squeeze %dma_wait3A_197 : memref<1x8x768xf32, #tpu.memory_space<hbm>> -> memref<8x768xf32, #tpu.memory_space<hbm>>
    %dma_wait3A_199 = arith.constant 0 : i32
    %dma_wait3A_200 = tpu.memref_slice %arg3[%dma_wait3A_192, %add3A_36, %dma_wait3A_199] : memref<4x8192x768xf32, #tpu.memory_space<hbm>> -> memref<1x8x768xf32, #tpu.memory_space<hbm>>
    %dma_wait3A_201 = tpu.memref_squeeze %dma_wait3A_200 : memref<1x8x768xf32, #tpu.memory_space<hbm>> -> memref<8x768xf32, #tpu.memory_space<hbm>>
    %dma_wait3A_202 = arith.constant 0 : i32
    %dma_wait3A_203 = arith.constant 0 : i32
    %dma_wait3A_204 = tpu.memref_slice %arg4[%dma_wait3A_202, %dma_wait3A_203] : memref<64x768xf32, #tpu.memory_space<vmem>> -> memref<8x768xf32, #tpu.memory_space<vmem>>
    tpu.wait_dma2 semaphore(%arg8 : memref<!tpu.dma_semaphore, #tpu.memory_space<semaphore_mem>>) src(%dma_wait3A_204 : memref<8x768xf32, #tpu.memory_space<vmem>>) dst(%dma_wait3A_201 : memref<8x768xf32, #tpu.memory_space<hbm>>)
    %add3A_205 = arith.constant 32 : i32
    %add3A_206 = arith.addi %mul3A_2, %add3A_205 : i32
    %dma_start3A_207 = arith.constant 0 : i32
    %dma_start3A_208 = arith.constant 0 : i32
    %dma_start3A_209 = tpu.memref_slice %arg4[%dma_start3A_207, %dma_start3A_208] : memref<64x768xf32, #tpu.memory_space<vmem>> -> memref<64x768xf32, #tpu.memory_space<vmem>>
    %dma_start3A_210 = arith.constant 0 : i32
    %dma_start3A_211 = tpu.memref_slice %arg2[%add3A_206, %dma_start3A_210] : memref<8192x768xf32, #tpu.memory_space<hbm>> -> memref<64x768xf32, #tpu.memory_space<hbm>>
    %dma_start3A_212 = arith.constant 0 : i32
    %dma_start3A_213 = arith.constant 0 : i32
    %dma_start3A_214 = tpu.memref_slice %arg4[%dma_start3A_212, %dma_start3A_213] : memref<64x768xf32, #tpu.memory_space<vmem>> -> memref<64x768xf32, #tpu.memory_space<vmem>>
    %dma_start3A_215 = arith.constant 0 : i32
    %dma_start3A_216 = tpu.memref_slice %arg2[%add3A_206, %dma_start3A_215] : memref<8192x768xf32, #tpu.memory_space<hbm>> -> memref<64x768xf32, #tpu.memory_space<hbm>>
    tpu.enqueue_dma source(%dma_start3A_216 : memref<64x768xf32, #tpu.memory_space<hbm>>) target(%dma_start3A_214 : memref<64x768xf32, #tpu.memory_space<vmem>>) target_semaphore(%arg6 : memref<!tpu.dma_semaphore, #tpu.memory_space<semaphore_mem>>)
    %dma_wait3A_217 = arith.constant 0 : i32
    %dma_wait3A_218 = arith.constant 0 : i32
    %dma_wait3A_219 = tpu.memref_slice %arg4[%dma_wait3A_217, %dma_wait3A_218] : memref<64x768xf32, #tpu.memory_space<vmem>> -> memref<64x768xf32, #tpu.memory_space<vmem>>
    %dma_wait3A_220 = arith.constant 0 : i32
    %dma_wait3A_221 = tpu.memref_slice %arg2[%add3A_206, %dma_wait3A_220] : memref<8192x768xf32, #tpu.memory_space<hbm>> -> memref<64x768xf32, #tpu.memory_space<hbm>>
    %dma_wait3A_222 = arith.constant 0 : i32
    %dma_wait3A_223 = arith.constant 0 : i32
    %dma_wait3A_224 = tpu.memref_slice %arg4[%dma_wait3A_222, %dma_wait3A_223] : memref<64x768xf32, #tpu.memory_space<vmem>> -> memref<64x768xf32, #tpu.memory_space<vmem>>
    %dma_wait3A_225 = arith.constant 0 : i32
    %dma_wait3A_226 = tpu.memref_slice %arg2[%add3A_206, %dma_wait3A_225] : memref<8192x768xf32, #tpu.memory_space<hbm>> -> memref<64x768xf32, #tpu.memory_space<hbm>>
    tpu.wait_dma2 semaphore(%arg6 : memref<!tpu.dma_semaphore, #tpu.memory_space<semaphore_mem>>) src(%dma_wait3A_226 : memref<64x768xf32, #tpu.memory_space<hbm>>) dst(%dma_wait3A_224 : memref<64x768xf32, #tpu.memory_space<vmem>>)
    %add3A_227 = arith.constant 32 : i32
    %add3A_228 = arith.addi %mul3A_2, %add3A_227 : i32
    %dma_start3A_229 = arith.constant 0 : i32
    %dma_start3A_230 = arith.constant 0 : i32
    %dma_start3A_231 = arith.constant 0 : i32
    %dma_start3A_232 = tpu.memref_slice %arg4[%dma_start3A_230, %dma_start3A_231] : memref<64x768xf32, #tpu.memory_space<vmem>> -> memref<64x768xf32, #tpu.memory_space<vmem>>
    %dma_start3A_233 = arith.constant 0 : i32
    %dma_start3A_234 = tpu.memref_slice %arg3[%dma_start3A_229, %add3A_228, %dma_start3A_233] : memref<4x8192x768xf32, #tpu.memory_space<hbm>> -> memref<1x64x768xf32, #tpu.memory_space<hbm>>
    %dma_start3A_235 = tpu.memref_squeeze %dma_start3A_234 : memref<1x64x768xf32, #tpu.memory_space<hbm>> -> memref<64x768xf32, #tpu.memory_space<hbm>>
    %dma_start3A_236 = arith.constant 0 : i32
    %dma_start3A_237 = tpu.memref_slice %arg3[%dma_start3A_229, %add3A_228, %dma_start3A_236] : memref<4x8192x768xf32, #tpu.memory_space<hbm>> -> memref<1x64x768xf32, #tpu.memory_space<hbm>>
    %dma_start3A_238 = tpu.memref_squeeze %dma_start3A_237 : memref<1x64x768xf32, #tpu.memory_space<hbm>> -> memref<64x768xf32, #tpu.memory_space<hbm>>
    %dma_start3A_239 = arith.constant 0 : i32
    %dma_start3A_240 = arith.constant 0 : i32
    %dma_start3A_241 = tpu.memref_slice %arg4[%dma_start3A_239, %dma_start3A_240] : memref<64x768xf32, #tpu.memory_space<vmem>> -> memref<64x768xf32, #tpu.memory_space<vmem>>
    tpu.enqueue_dma source(%dma_start3A_241 : memref<64x768xf32, #tpu.memory_space<vmem>>) target(%dma_start3A_238 : memref<64x768xf32, #tpu.memory_space<hbm>>) target_semaphore(%arg8 : memref<!tpu.dma_semaphore, #tpu.memory_space<semaphore_mem>>)
    %dma_start3A_242 = arith.constant 1 : i32
    %dma_start3A_243 = arith.constant 0 : i32
    %dma_start3A_244 = arith.constant 0 : i32
    %dma_start3A_245 = tpu.memref_slice %arg4[%dma_start3A_243, %dma_start3A_244] : memref<64x768xf32, #tpu.memory_space<vmem>> -> memref<64x768xf32, #tpu.memory_space<vmem>>
    %dma_start3A_246 = arith.constant 0 : i32
    %dma_start3A_247 = tpu.memref_slice %arg3[%dma_start3A_242, %add3A_228, %dma_start3A_246] : memref<4x8192x768xf32, #tpu.memory_space<hbm>> -> memref<1x64x768xf32, #tpu.memory_space<hbm>>
    %dma_start3A_248 = tpu.memref_squeeze %dma_start3A_247 : memref<1x64x768xf32, #tpu.memory_space<hbm>> -> memref<64x768xf32, #tpu.memory_space<hbm>>
    %dma_start3A_249 = arith.constant 0 : i32
    %dma_start3A_250 = tpu.memref_slice %arg3[%dma_start3A_242, %add3A_228, %dma_start3A_249] : memref<4x8192x768xf32, #tpu.memory_space<hbm>> -> memref<1x64x768xf32, #tpu.memory_space<hbm>>
    %dma_start3A_251 = tpu.memref_squeeze %dma_start3A_250 : memref<1x64x768xf32, #tpu.memory_space<hbm>> -> memref<64x768xf32, #tpu.memory_space<hbm>>
    %dma_start3A_252 = arith.constant 0 : i32
    %dma_start3A_253 = arith.constant 0 : i32
    %dma_start3A_254 = tpu.memref_slice %arg4[%dma_start3A_252, %dma_start3A_253] : memref<64x768xf32, #tpu.memory_space<vmem>> -> memref<64x768xf32, #tpu.memory_space<vmem>>
    tpu.enqueue_dma source(%dma_start3A_254 : memref<64x768xf32, #tpu.memory_space<vmem>>) target(%dma_start3A_251 : memref<64x768xf32, #tpu.memory_space<hbm>>) target_semaphore(%arg8 : memref<!tpu.dma_semaphore, #tpu.memory_space<semaphore_mem>>)
    %dma_start3A_255 = arith.constant 2 : i32
    %dma_start3A_256 = arith.constant 0 : i32
    %dma_start3A_257 = arith.constant 0 : i32
    %dma_start3A_258 = tpu.memref_slice %arg4[%dma_start3A_256, %dma_start3A_257] : memref<64x768xf32, #tpu.memory_space<vmem>> -> memref<64x768xf32, #tpu.memory_space<vmem>>
    %dma_start3A_259 = arith.constant 0 : i32
    %dma_start3A_260 = tpu.memref_slice %arg3[%dma_start3A_255, %add3A_228, %dma_start3A_259] : memref<4x8192x768xf32, #tpu.memory_space<hbm>> -> memref<1x64x768xf32, #tpu.memory_space<hbm>>
    %dma_start3A_261 = tpu.memref_squeeze %dma_start3A_260 : memref<1x64x768xf32, #tpu.memory_space<hbm>> -> memref<64x768xf32, #tpu.memory_space<hbm>>
    %dma_start3A_262 = arith.constant 0 : i32
    %dma_start3A_263 = tpu.memref_slice %arg3[%dma_start3A_255, %add3A_228, %dma_start3A_262] : memref<4x8192x768xf32, #tpu.memory_space<hbm>> -> memref<1x64x768xf32, #tpu.memory_space<hbm>>
    %dma_start3A_264 = tpu.memref_squeeze %dma_start3A_263 : memref<1x64x768xf32, #tpu.memory_space<hbm>> -> memref<64x768xf32, #tpu.memory_space<hbm>>
    %dma_start3A_265 = arith.constant 0 : i32
    %dma_start3A_266 = arith.constant 0 : i32
    %dma_start3A_267 = tpu.memref_slice %arg4[%dma_start3A_265, %dma_start3A_266] : memref<64x768xf32, #tpu.memory_space<vmem>> -> memref<64x768xf32, #tpu.memory_space<vmem>>
    tpu.enqueue_dma source(%dma_start3A_267 : memref<64x768xf32, #tpu.memory_space<vmem>>) target(%dma_start3A_264 : memref<64x768xf32, #tpu.memory_space<hbm>>) target_semaphore(%arg8 : memref<!tpu.dma_semaphore, #tpu.memory_space<semaphore_mem>>)
    %dma_start3A_268 = arith.constant 3 : i32
    %dma_start3A_269 = arith.constant 0 : i32
    %dma_start3A_270 = arith.constant 0 : i32
    %dma_start3A_271 = tpu.memref_slice %arg4[%dma_start3A_269, %dma_start3A_270] : memref<64x768xf32, #tpu.memory_space<vmem>> -> memref<64x768xf32, #tpu.memory_space<vmem>>
    %dma_start3A_272 = arith.constant 0 : i32
    %dma_start3A_273 = tpu.memref_slice %arg3[%dma_start3A_268, %add3A_228, %dma_start3A_272] : memref<4x8192x768xf32, #tpu.memory_space<hbm>> -> memref<1x64x768xf32, #tpu.memory_space<hbm>>
    %dma_start3A_274 = tpu.memref_squeeze %dma_start3A_273 : memref<1x64x768xf32, #tpu.memory_space<hbm>> -> memref<64x768xf32, #tpu.memory_space<hbm>>
    %dma_start3A_275 = arith.constant 0 : i32
    %dma_start3A_276 = tpu.memref_slice %arg3[%dma_start3A_268, %add3A_228, %dma_start3A_275] : memref<4x8192x768xf32, #tpu.memory_space<hbm>> -> memref<1x64x768xf32, #tpu.memory_space<hbm>>
    %dma_start3A_277 = tpu.memref_squeeze %dma_start3A_276 : memref<1x64x768xf32, #tpu.memory_space<hbm>> -> memref<64x768xf32, #tpu.memory_space<hbm>>
    %dma_start3A_278 = arith.constant 0 : i32
    %dma_start3A_279 = arith.constant 0 : i32
    %dma_start3A_280 = tpu.memref_slice %arg4[%dma_start3A_278, %dma_start3A_279] : memref<64x768xf32, #tpu.memory_space<vmem>> -> memref<64x768xf32, #tpu.memory_space<vmem>>
    tpu.enqueue_dma source(%dma_start3A_280 : memref<64x768xf32, #tpu.memory_space<vmem>>) target(%dma_start3A_277 : memref<64x768xf32, #tpu.memory_space<hbm>>) target_semaphore(%arg8 : memref<!tpu.dma_semaphore, #tpu.memory_space<semaphore_mem>>)
    %dma_wait3A_281 = arith.constant 0 : i32
    %dma_wait3A_282 = arith.constant 0 : i32
    %dma_wait3A_283 = arith.constant 0 : i32
    %dma_wait3A_284 = tpu.memref_slice %arg5[%dma_wait3A_282, %dma_wait3A_283] : memref<64x768xf32, #tpu.memory_space<vmem>> -> memref<24x768xf32, #tpu.memory_space<vmem>>
    %dma_wait3A_285 = arith.constant 0 : i32
    %dma_wait3A_286 = tpu.memref_slice %arg3[%dma_wait3A_281, %add3A_100, %dma_wait3A_285] : memref<4x8192x768xf32, #tpu.memory_space<hbm>> -> memref<1x24x768xf32, #tpu.memory_space<hbm>>
    %dma_wait3A_287 = tpu.memref_squeeze %dma_wait3A_286 : memref<1x24x768xf32, #tpu.memory_space<hbm>> -> memref<24x768xf32, #tpu.memory_space<hbm>>
    %dma_wait3A_288 = arith.constant 0 : i32
    %dma_wait3A_289 = tpu.memref_slice %arg3[%dma_wait3A_281, %add3A_100, %dma_wait3A_288] : memref<4x8192x768xf32, #tpu.memory_space<hbm>> -> memref<1x24x768xf32, #tpu.memory_space<hbm>>
    %dma_wait3A_290 = tpu.memref_squeeze %dma_wait3A_289 : memref<1x24x768xf32, #tpu.memory_space<hbm>> -> memref<24x768xf32, #tpu.memory_space<hbm>>
    %dma_wait3A_291 = arith.constant 0 : i32
    %dma_wait3A_292 = arith.constant 0 : i32
    %dma_wait3A_293 = tpu.memref_slice %arg5[%dma_wait3A_291, %dma_wait3A_292] : memref<64x768xf32, #tpu.memory_space<vmem>> -> memref<24x768xf32, #tpu.memory_space<vmem>>
    tpu.wait_dma2 semaphore(%arg9 : memref<!tpu.dma_semaphore, #tpu.memory_space<semaphore_mem>>) src(%dma_wait3A_293 : memref<24x768xf32, #tpu.memory_space<vmem>>) dst(%dma_wait3A_290 : memref<24x768xf32, #tpu.memory_space<hbm>>)
    %dma_wait3A_294 = arith.constant 1 : i32
    %dma_wait3A_295 = arith.constant 0 : i32
    %dma_wait3A_296 = arith.constant 0 : i32
    %dma_wait3A_297 = tpu.memref_slice %arg5[%dma_wait3A_295, %dma_wait3A_296] : memref<64x768xf32, #tpu.memory_space<vmem>> -> memref<24x768xf32, #tpu.memory_space<vmem>>
    %dma_wait3A_298 = arith.constant 0 : i32
    %dma_wait3A_299 = tpu.memref_slice %arg3[%dma_wait3A_294, %add3A_100, %dma_wait3A_298] : memref<4x8192x768xf32, #tpu.memory_space<hbm>> -> memref<1x24x768xf32, #tpu.memory_space<hbm>>
    %dma_wait3A_300 = tpu.memref_squeeze %dma_wait3A_299 : memref<1x24x768xf32, #tpu.memory_space<hbm>> -> memref<24x768xf32, #tpu.memory_space<hbm>>
    %dma_wait3A_301 = arith.constant 0 : i32
    %dma_wait3A_302 = tpu.memref_slice %arg3[%dma_wait3A_294, %add3A_100, %dma_wait3A_301] : memref<4x8192x768xf32, #tpu.memory_space<hbm>> -> memref<1x24x768xf32, #tpu.memory_space<hbm>>
    %dma_wait3A_303 = tpu.memref_squeeze %dma_wait3A_302 : memref<1x24x768xf32, #tpu.memory_space<hbm>> -> memref<24x768xf32, #tpu.memory_space<hbm>>
    %dma_wait3A_304 = arith.constant 0 : i32
    %dma_wait3A_305 = arith.constant 0 : i32
    %dma_wait3A_306 = tpu.memref_slice %arg5[%dma_wait3A_304, %dma_wait3A_305] : memref<64x768xf32, #tpu.memory_space<vmem>> -> memref<24x768xf32, #tpu.memory_space<vmem>>
    tpu.wait_dma2 semaphore(%arg9 : memref<!tpu.dma_semaphore, #tpu.memory_space<semaphore_mem>>) src(%dma_wait3A_306 : memref<24x768xf32, #tpu.memory_space<vmem>>) dst(%dma_wait3A_303 : memref<24x768xf32, #tpu.memory_space<hbm>>)
    %dma_wait3A_307 = arith.constant 2 : i32
    %dma_wait3A_308 = arith.constant 0 : i32
    %dma_wait3A_309 = arith.constant 0 : i32
    %dma_wait3A_310 = tpu.memref_slice %arg5[%dma_wait3A_308, %dma_wait3A_309] : memref<64x768xf32, #tpu.memory_space<vmem>> -> memref<24x768xf32, #tpu.memory_space<vmem>>
    %dma_wait3A_311 = arith.constant 0 : i32
    %dma_wait3A_312 = tpu.memref_slice %arg3[%dma_wait3A_307, %add3A_100, %dma_wait3A_311] : memref<4x8192x768xf32, #tpu.memory_space<hbm>> -> memref<1x24x768xf32, #tpu.memory_space<hbm>>
    %dma_wait3A_313 = tpu.memref_squeeze %dma_wait3A_312 : memref<1x24x768xf32, #tpu.memory_space<hbm>> -> memref<24x768xf32, #tpu.memory_space<hbm>>
    %dma_wait3A_314 = arith.constant 0 : i32
    %dma_wait3A_315 = tpu.memref_slice %arg3[%dma_wait3A_307, %add3A_100, %dma_wait3A_314] : memref<4x8192x768xf32, #tpu.memory_space<hbm>> -> memref<1x24x768xf32, #tpu.memory_space<hbm>>
    %dma_wait3A_316 = tpu.memref_squeeze %dma_wait3A_315 : memref<1x24x768xf32, #tpu.memory_space<hbm>> -> memref<24x768xf32, #tpu.memory_space<hbm>>
    %dma_wait3A_317 = arith.constant 0 : i32
    %dma_wait3A_318 = arith.constant 0 : i32
    %dma_wait3A_319 = tpu.memref_slice %arg5[%dma_wait3A_317, %dma_wait3A_318] : memref<64x768xf32, #tpu.memory_space<vmem>> -> memref<24x768xf32, #tpu.memory_space<vmem>>
    tpu.wait_dma2 semaphore(%arg9 : memref<!tpu.dma_semaphore, #tpu.memory_space<semaphore_mem>>) src(%dma_wait3A_319 : memref<24x768xf32, #tpu.memory_space<vmem>>) dst(%dma_wait3A_316 : memref<24x768xf32, #tpu.memory_space<hbm>>)
    %dma_wait3A_320 = arith.constant 3 : i32
    %dma_wait3A_321 = arith.constant 0 : i32
    %dma_wait3A_322 = arith.constant 0 : i32
    %dma_wait3A_323 = tpu.memref_slice %arg5[%dma_wait3A_321, %dma_wait3A_322] : memref<64x768xf32, #tpu.memory_space<vmem>> -> memref<24x768xf32, #tpu.memory_space<vmem>>
    %dma_wait3A_324 = arith.constant 0 : i32
    %dma_wait3A_325 = tpu.memref_slice %arg3[%dma_wait3A_320, %add3A_100, %dma_wait3A_324] : memref<4x8192x768xf32, #tpu.memory_space<hbm>> -> memref<1x24x768xf32, #tpu.memory_space<hbm>>
    %dma_wait3A_326 = tpu.memref_squeeze %dma_wait3A_325 : memref<1x24x768xf32, #tpu.memory_space<hbm>> -> memref<24x768xf32, #tpu.memory_space<hbm>>
    %dma_wait3A_327 = arith.constant 0 : i32
    %dma_wait3A_328 = tpu.memref_slice %arg3[%dma_wait3A_320, %add3A_100, %dma_wait3A_327] : memref<4x8192x768xf32, #tpu.memory_space<hbm>> -> memref<1x24x768xf32, #tpu.memory_space<hbm>>
    %dma_wait3A_329 = tpu.memref_squeeze %dma_wait3A_328 : memref<1x24x768xf32, #tpu.memory_space<hbm>> -> memref<24x768xf32, #tpu.memory_space<hbm>>
    %dma_wait3A_330 = arith.constant 0 : i32
    %dma_wait3A_331 = arith.constant 0 : i32
    %dma_wait3A_332 = tpu.memref_slice %arg5[%dma_wait3A_330, %dma_wait3A_331] : memref<64x768xf32, #tpu.memory_space<vmem>> -> memref<24x768xf32, #tpu.memory_space<vmem>>
    tpu.wait_dma2 semaphore(%arg9 : memref<!tpu.dma_semaphore, #tpu.memory_space<semaphore_mem>>) src(%dma_wait3A_332 : memref<24x768xf32, #tpu.memory_space<vmem>>) dst(%dma_wait3A_329 : memref<24x768xf32, #tpu.memory_space<hbm>>)
    %add3A_333 = arith.constant 96 : i32
    %add3A_334 = arith.addi %mul3A_2, %add3A_333 : i32
    %dma_start3A_335 = arith.constant 0 : i32
    %dma_start3A_336 = arith.constant 0 : i32
    %dma_start3A_337 = tpu.memref_slice %arg5[%dma_start3A_335, %dma_start3A_336] : memref<64x768xf32, #tpu.memory_space<vmem>> -> memref<64x768xf32, #tpu.memory_space<vmem>>
    %dma_start3A_338 = arith.constant 0 : i32
    %dma_start3A_339 = tpu.memref_slice %arg2[%add3A_334, %dma_start3A_338] : memref<8192x768xf32, #tpu.memory_space<hbm>> -> memref<64x768xf32, #tpu.memory_space<hbm>>
    %dma_start3A_340 = arith.constant 0 : i32
    %dma_start3A_341 = arith.constant 0 : i32
    %dma_start3A_342 = tpu.memref_slice %arg5[%dma_start3A_340, %dma_start3A_341] : memref<64x768xf32, #tpu.memory_space<vmem>> -> memref<64x768xf32, #tpu.memory_space<vmem>>
    %dma_start3A_343 = arith.constant 0 : i32
    %dma_start3A_344 = tpu.memref_slice %arg2[%add3A_334, %dma_start3A_343] : memref<8192x768xf32, #tpu.memory_space<hbm>> -> memref<64x768xf32, #tpu.memory_space<hbm>>
    tpu.enqueue_dma source(%dma_start3A_344 : memref<64x768xf32, #tpu.memory_space<hbm>>) target(%dma_start3A_342 : memref<64x768xf32, #tpu.memory_space<vmem>>) target_semaphore(%arg7 : memref<!tpu.dma_semaphore, #tpu.memory_space<semaphore_mem>>)
    %dma_wait3A_345 = arith.constant 0 : i32
    %dma_wait3A_346 = arith.constant 0 : i32
    %dma_wait3A_347 = tpu.memref_slice %arg5[%dma_wait3A_345, %dma_wait3A_346] : memref<64x768xf32, #tpu.memory_space<vmem>> -> memref<64x768xf32, #tpu.memory_space<vmem>>
    %dma_wait3A_348 = arith.constant 0 : i32
    %dma_wait3A_349 = tpu.memref_slice %arg2[%add3A_334, %dma_wait3A_348] : memref<8192x768xf32, #tpu.memory_space<hbm>> -> memref<64x768xf32, #tpu.memory_space<hbm>>
    %dma_wait3A_350 = arith.constant 0 : i32
    %dma_wait3A_351 = arith.constant 0 : i32
    %dma_wait3A_352 = tpu.memref_slice %arg5[%dma_wait3A_350, %dma_wait3A_351] : memref<64x768xf32, #tpu.memory_space<vmem>> -> memref<64x768xf32, #tpu.memory_space<vmem>>
    %dma_wait3A_353 = arith.constant 0 : i32
    %dma_wait3A_354 = tpu.memref_slice %arg2[%add3A_334, %dma_wait3A_353] : memref<8192x768xf32, #tpu.memory_space<hbm>> -> memref<64x768xf32, #tpu.memory_space<hbm>>
    tpu.wait_dma2 semaphore(%arg7 : memref<!tpu.dma_semaphore, #tpu.memory_space<semaphore_mem>>) src(%dma_wait3A_354 : memref<64x768xf32, #tpu.memory_space<hbm>>) dst(%dma_wait3A_352 : memref<64x768xf32, #tpu.memory_space<vmem>>)
    %add3A_355 = arith.constant 96 : i32
    %add3A_356 = arith.addi %mul3A_2, %add3A_355 : i32
    %dma_start3A_357 = arith.constant 0 : i32
    %dma_start3A_358 = arith.constant 0 : i32
    %dma_start3A_359 = arith.constant 0 : i32
    %dma_start3A_360 = tpu.memref_slice %arg5[%dma_start3A_358, %dma_start3A_359] : memref<64x768xf32, #tpu.memory_space<vmem>> -> memref<64x768xf32, #tpu.memory_space<vmem>>
    %dma_start3A_361 = arith.constant 0 : i32
    %dma_start3A_362 = tpu.memref_slice %arg3[%dma_start3A_357, %add3A_356, %dma_start3A_361] : memref<4x8192x768xf32, #tpu.memory_space<hbm>> -> memref<1x64x768xf32, #tpu.memory_space<hbm>>
    %dma_start3A_363 = tpu.memref_squeeze %dma_start3A_362 : memref<1x64x768xf32, #tpu.memory_space<hbm>> -> memref<64x768xf32, #tpu.memory_space<hbm>>
    %dma_start3A_364 = arith.constant 0 : i32
    %dma_start3A_365 = tpu.memref_slice %arg3[%dma_start3A_357, %add3A_356, %dma_start3A_364] : memref<4x8192x768xf32, #tpu.memory_space<hbm>> -> memref<1x64x768xf32, #tpu.memory_space<hbm>>
    %dma_start3A_366 = tpu.memref_squeeze %dma_start3A_365 : memref<1x64x768xf32, #tpu.memory_space<hbm>> -> memref<64x768xf32, #tpu.memory_space<hbm>>
    %dma_start3A_367 = arith.constant 0 : i32
    %dma_start3A_368 = arith.constant 0 : i32
    %dma_start3A_369 = tpu.memref_slice %arg5[%dma_start3A_367, %dma_start3A_368] : memref<64x768xf32, #tpu.memory_space<vmem>> -> memref<64x768xf32, #tpu.memory_space<vmem>>
    tpu.enqueue_dma source(%dma_start3A_369 : memref<64x768xf32, #tpu.memory_space<vmem>>) target(%dma_start3A_366 : memref<64x768xf32, #tpu.memory_space<hbm>>) target_semaphore(%arg9 : memref<!tpu.dma_semaphore, #tpu.memory_space<semaphore_mem>>)
    %dma_start3A_370 = arith.constant 1 : i32
    %dma_start3A_371 = arith.constant 0 : i32
    %dma_start3A_372 = arith.constant 0 : i32
    %dma_start3A_373 = tpu.memref_slice %arg5[%dma_start3A_371, %dma_start3A_372] : memref<64x768xf32, #tpu.memory_space<vmem>> -> memref<64x768xf32, #tpu.memory_space<vmem>>
    %dma_start3A_374 = arith.constant 0 : i32
    %dma_start3A_375 = tpu.memref_slice %arg3[%dma_start3A_370, %add3A_356, %dma_start3A_374] : memref<4x8192x768xf32, #tpu.memory_space<hbm>> -> memref<1x64x768xf32, #tpu.memory_space<hbm>>
    %dma_start3A_376 = tpu.memref_squeeze %dma_start3A_375 : memref<1x64x768xf32, #tpu.memory_space<hbm>> -> memref<64x768xf32, #tpu.memory_space<hbm>>
    %dma_start3A_377 = arith.constant 0 : i32
    %dma_start3A_378 = tpu.memref_slice %arg3[%dma_start3A_370, %add3A_356, %dma_start3A_377] : memref<4x8192x768xf32, #tpu.memory_space<hbm>> -> memref<1x64x768xf32, #tpu.memory_space<hbm>>
    %dma_start3A_379 = tpu.memref_squeeze %dma_start3A_378 : memref<1x64x768xf32, #tpu.memory_space<hbm>> -> memref<64x768xf32, #tpu.memory_space<hbm>>
    %dma_start3A_380 = arith.constant 0 : i32
    %dma_start3A_381 = arith.constant 0 : i32
    %dma_start3A_382 = tpu.memref_slice %arg5[%dma_start3A_380, %dma_start3A_381] : memref<64x768xf32, #tpu.memory_space<vmem>> -> memref<64x768xf32, #tpu.memory_space<vmem>>
    tpu.enqueue_dma source(%dma_start3A_382 : memref<64x768xf32, #tpu.memory_space<vmem>>) target(%dma_start3A_379 : memref<64x768xf32, #tpu.memory_space<hbm>>) target_semaphore(%arg9 : memref<!tpu.dma_semaphore, #tpu.memory_space<semaphore_mem>>)
    %dma_start3A_383 = arith.constant 2 : i32
    %dma_start3A_384 = arith.constant 0 : i32
    %dma_start3A_385 = arith.constant 0 : i32
    %dma_start3A_386 = tpu.memref_slice %arg5[%dma_start3A_384, %dma_start3A_385] : memref<64x768xf32, #tpu.memory_space<vmem>> -> memref<64x768xf32, #tpu.memory_space<vmem>>
    %dma_start3A_387 = arith.constant 0 : i32
    %dma_start3A_388 = tpu.memref_slice %arg3[%dma_start3A_383, %add3A_356, %dma_start3A_387] : memref<4x8192x768xf32, #tpu.memory_space<hbm>> -> memref<1x64x768xf32, #tpu.memory_space<hbm>>
    %dma_start3A_389 = tpu.memref_squeeze %dma_start3A_388 : memref<1x64x768xf32, #tpu.memory_space<hbm>> -> memref<64x768xf32, #tpu.memory_space<hbm>>
    %dma_start3A_390 = arith.constant 0 : i32
    %dma_start3A_391 = tpu.memref_slice %arg3[%dma_start3A_383, %add3A_356, %dma_start3A_390] : memref<4x8192x768xf32, #tpu.memory_space<hbm>> -> memref<1x64x768xf32, #tpu.memory_space<hbm>>
    %dma_start3A_392 = tpu.memref_squeeze %dma_start3A_391 : memref<1x64x768xf32, #tpu.memory_space<hbm>> -> memref<64x768xf32, #tpu.memory_space<hbm>>
    %dma_start3A_393 = arith.constant 0 : i32
    %dma_start3A_394 = arith.constant 0 : i32
    %dma_start3A_395 = tpu.memref_slice %arg5[%dma_start3A_393, %dma_start3A_394] : memref<64x768xf32, #tpu.memory_space<vmem>> -> memref<64x768xf32, #tpu.memory_space<vmem>>
    tpu.enqueue_dma source(%dma_start3A_395 : memref<64x768xf32, #tpu.memory_space<vmem>>) target(%dma_start3A_392 : memref<64x768xf32, #tpu.memory_space<hbm>>) target_semaphore(%arg9 : memref<!tpu.dma_semaphore, #tpu.memory_space<semaphore_mem>>)
    %dma_start3A_396 = arith.constant 3 : i32
    %dma_start3A_397 = arith.constant 0 : i32
    %dma_start3A_398 = arith.constant 0 : i32
    %dma_start3A_399 = tpu.memref_slice %arg5[%dma_start3A_397, %dma_start3A_398] : memref<64x768xf32, #tpu.memory_space<vmem>> -> memref<64x768xf32, #tpu.memory_space<vmem>>
    %dma_start3A_400 = arith.constant 0 : i32
    %dma_start3A_401 = tpu.memref_slice %arg3[%dma_start3A_396, %add3A_356, %dma_start3A_400] : memref<4x8192x768xf32, #tpu.memory_space<hbm>> -> memref<1x64x768xf32, #tpu.memory_space<hbm>>
    %dma_start3A_402 = tpu.memref_squeeze %dma_start3A_401 : memref<1x64x768xf32, #tpu.memory_space<hbm>> -> memref<64x768xf32, #tpu.memory_space<hbm>>
    %dma_start3A_403 = arith.constant 0 : i32
    %dma_start3A_404 = tpu.memref_slice %arg3[%dma_start3A_396, %add3A_356, %dma_start3A_403] : memref<4x8192x768xf32, #tpu.memory_space<hbm>> -> memref<1x64x768xf32, #tpu.memory_space<hbm>>
    %dma_start3A_405 = tpu.memref_squeeze %dma_start3A_404 : memref<1x64x768xf32, #tpu.memory_space<hbm>> -> memref<64x768xf32, #tpu.memory_space<hbm>>
    %dma_start3A_406 = arith.constant 0 : i32
    %dma_start3A_407 = arith.constant 0 : i32
    %dma_start3A_408 = tpu.memref_slice %arg5[%dma_start3A_406, %dma_start3A_407] : memref<64x768xf32, #tpu.memory_space<vmem>> -> memref<64x768xf32, #tpu.memory_space<vmem>>
    tpu.enqueue_dma source(%dma_start3A_408 : memref<64x768xf32, #tpu.memory_space<vmem>>) target(%dma_start3A_405 : memref<64x768xf32, #tpu.memory_space<hbm>>) target_semaphore(%arg9 : memref<!tpu.dma_semaphore, #tpu.memory_space<semaphore_mem>>)
    %dma_wait3A_409 = arith.constant 0 : i32
    %dma_wait3A_410 = arith.constant 0 : i32
    %dma_wait3A_411 = arith.constant 0 : i32
    %dma_wait3A_412 = tpu.memref_slice %arg4[%dma_wait3A_410, %dma_wait3A_411] : memref<64x768xf32, #tpu.memory_space<vmem>> -> memref<64x768xf32, #tpu.memory_space<vmem>>
    %dma_wait3A_413 = arith.constant 0 : i32
    %dma_wait3A_414 = tpu.memref_slice %arg3[%dma_wait3A_409, %add3A_228, %dma_wait3A_413] : memref<4x8192x768xf32, #tpu.memory_space<hbm>> -> memref<1x64x768xf32, #tpu.memory_space<hbm>>
    %dma_wait3A_415 = tpu.memref_squeeze %dma_wait3A_414 : memref<1x64x768xf32, #tpu.memory_space<hbm>> -> memref<64x768xf32, #tpu.memory_space<hbm>>
    %dma_wait3A_416 = arith.constant 0 : i32
    %dma_wait3A_417 = tpu.memref_slice %arg3[%dma_wait3A_409, %add3A_228, %dma_wait3A_416] : memref<4x8192x768xf32, #tpu.memory_space<hbm>> -> memref<1x64x768xf32, #tpu.memory_space<hbm>>
    %dma_wait3A_418 = tpu.memref_squeeze %dma_wait3A_417 : memref<1x64x768xf32, #tpu.memory_space<hbm>> -> memref<64x768xf32, #tpu.memory_space<hbm>>
    %dma_wait3A_419 = arith.constant 0 : i32
    %dma_wait3A_420 = arith.constant 0 : i32
    %dma_wait3A_421 = tpu.memref_slice %arg4[%dma_wait3A_419, %dma_wait3A_420] : memref<64x768xf32, #tpu.memory_space<vmem>> -> memref<64x768xf32, #tpu.memory_space<vmem>>
    tpu.wait_dma2 semaphore(%arg8 : memref<!tpu.dma_semaphore, #tpu.memory_space<semaphore_mem>>) src(%dma_wait3A_421 : memref<64x768xf32, #tpu.memory_space<vmem>>) dst(%dma_wait3A_418 : memref<64x768xf32, #tpu.memory_space<hbm>>)
    %dma_wait3A_422 = arith.constant 1 : i32
    %dma_wait3A_423 = arith.constant 0 : i32
    %dma_wait3A_424 = arith.constant 0 : i32
    %dma_wait3A_425 = tpu.memref_slice %arg4[%dma_wait3A_423, %dma_wait3A_424] : memref<64x768xf32, #tpu.memory_space<vmem>> -> memref<64x768xf32, #tpu.memory_space<vmem>>
    %dma_wait3A_426 = arith.constant 0 : i32
    %dma_wait3A_427 = tpu.memref_slice %arg3[%dma_wait3A_422, %add3A_228, %dma_wait3A_426] : memref<4x8192x768xf32, #tpu.memory_space<hbm>> -> memref<1x64x768xf32, #tpu.memory_space<hbm>>
    %dma_wait3A_428 = tpu.memref_squeeze %dma_wait3A_427 : memref<1x64x768xf32, #tpu.memory_space<hbm>> -> memref<64x768xf32, #tpu.memory_space<hbm>>
    %dma_wait3A_429 = arith.constant 0 : i32
    %dma_wait3A_430 = tpu.memref_slice %arg3[%dma_wait3A_422, %add3A_228, %dma_wait3A_429] : memref<4x8192x768xf32, #tpu.memory_space<hbm>> -> memref<1x64x768xf32, #tpu.memory_space<hbm>>
    %dma_wait3A_431 = tpu.memref_squeeze %dma_wait3A_430 : memref<1x64x768xf32, #tpu.memory_space<hbm>> -> memref<64x768xf32, #tpu.memory_space<hbm>>
    %dma_wait3A_432 = arith.constant 0 : i32
    %dma_wait3A_433 = arith.constant 0 : i32
    %dma_wait3A_434 = tpu.memref_slice %arg4[%dma_wait3A_432, %dma_wait3A_433] : memref<64x768xf32, #tpu.memory_space<vmem>> -> memref<64x768xf32, #tpu.memory_space<vmem>>
    tpu.wait_dma2 semaphore(%arg8 : memref<!tpu.dma_semaphore, #tpu.memory_space<semaphore_mem>>) src(%dma_wait3A_434 : memref<64x768xf32, #tpu.memory_space<vmem>>) dst(%dma_wait3A_431 : memref<64x768xf32, #tpu.memory_space<hbm>>)
    %dma_wait3A_435 = arith.constant 2 : i32
    %dma_wait3A_436 = arith.constant 0 : i32
    %dma_wait3A_437 = arith.constant 0 : i32
    %dma_wait3A_438 = tpu.memref_slice %arg4[%dma_wait3A_436, %dma_wait3A_437] : memref<64x768xf32, #tpu.memory_space<vmem>> -> memref<64x768xf32, #tpu.memory_space<vmem>>
    %dma_wait3A_439 = arith.constant 0 : i32
    %dma_wait3A_440 = tpu.memref_slice %arg3[%dma_wait3A_435, %add3A_228, %dma_wait3A_439] : memref<4x8192x768xf32, #tpu.memory_space<hbm>> -> memref<1x64x768xf32, #tpu.memory_space<hbm>>
    %dma_wait3A_441 = tpu.memref_squeeze %dma_wait3A_440 : memref<1x64x768xf32, #tpu.memory_space<hbm>> -> memref<64x768xf32, #tpu.memory_space<hbm>>
    %dma_wait3A_442 = arith.constant 0 : i32
    %dma_wait3A_443 = tpu.memref_slice %arg3[%dma_wait3A_435, %add3A_228, %dma_wait3A_442] : memref<4x8192x768xf32, #tpu.memory_space<hbm>> -> memref<1x64x768xf32, #tpu.memory_space<hbm>>
    %dma_wait3A_444 = tpu.memref_squeeze %dma_wait3A_443 : memref<1x64x768xf32, #tpu.memory_space<hbm>> -> memref<64x768xf32, #tpu.memory_space<hbm>>
    %dma_wait3A_445 = arith.constant 0 : i32
    %dma_wait3A_446 = arith.constant 0 : i32
    %dma_wait3A_447 = tpu.memref_slice %arg4[%dma_wait3A_445, %dma_wait3A_446] : memref<64x768xf32, #tpu.memory_space<vmem>> -> memref<64x768xf32, #tpu.memory_space<vmem>>
    tpu.wait_dma2 semaphore(%arg8 : memref<!tpu.dma_semaphore, #tpu.memory_space<semaphore_mem>>) src(%dma_wait3A_447 : memref<64x768xf32, #tpu.memory_space<vmem>>) dst(%dma_wait3A_444 : memref<64x768xf32, #tpu.memory_space<hbm>>)
    %dma_wait3A_448 = arith.constant 3 : i32
    %dma_wait3A_449 = arith.constant 0 : i32
    %dma_wait3A_450 = arith.constant 0 : i32
    %dma_wait3A_451 = tpu.memref_slice %arg4[%dma_wait3A_449, %dma_wait3A_450] : memref<64x768xf32, #tpu.memory_space<vmem>> -> memref<64x768xf32, #tpu.memory_space<vmem>>
    %dma_wait3A_452 = arith.constant 0 : i32
    %dma_wait3A_453 = tpu.memref_slice %arg3[%dma_wait3A_448, %add3A_228, %dma_wait3A_452] : memref<4x8192x768xf32, #tpu.memory_space<hbm>> -> memref<1x64x768xf32, #tpu.memory_space<hbm>>
    %dma_wait3A_454 = tpu.memref_squeeze %dma_wait3A_453 : memref<1x64x768xf32, #tpu.memory_space<hbm>> -> memref<64x768xf32, #tpu.memory_space<hbm>>
    %dma_wait3A_455 = arith.constant 0 : i32
    %dma_wait3A_456 = tpu.memref_slice %arg3[%dma_wait3A_448, %add3A_228, %dma_wait3A_455] : memref<4x8192x768xf32, #tpu.memory_space<hbm>> -> memref<1x64x768xf32, #tpu.memory_space<hbm>>
    %dma_wait3A_457 = tpu.memref_squeeze %dma_wait3A_456 : memref<1x64x768xf32, #tpu.memory_space<hbm>> -> memref<64x768xf32, #tpu.memory_space<hbm>>
    %dma_wait3A_458 = arith.constant 0 : i32
    %dma_wait3A_459 = arith.constant 0 : i32
    %dma_wait3A_460 = tpu.memref_slice %arg4[%dma_wait3A_458, %dma_wait3A_459] : memref<64x768xf32, #tpu.memory_space<vmem>> -> memref<64x768xf32, #tpu.memory_space<vmem>>
    tpu.wait_dma2 semaphore(%arg8 : memref<!tpu.dma_semaphore, #tpu.memory_space<semaphore_mem>>) src(%dma_wait3A_460 : memref<64x768xf32, #tpu.memory_space<vmem>>) dst(%dma_wait3A_457 : memref<64x768xf32, #tpu.memory_space<hbm>>)
    %add3A_461 = arith.constant 160 : i32
    %add3A_462 = arith.addi %mul3A_2, %add3A_461 : i32
    %dma_start3A_463 = arith.constant 0 : i32
    %dma_start3A_464 = arith.constant 0 : i32
    %dma_start3A_465 = tpu.memref_slice %arg4[%dma_start3A_463, %dma_start3A_464] : memref<64x768xf32, #tpu.memory_space<vmem>> -> memref<64x768xf32, #tpu.memory_space<vmem>>
    %dma_start3A_466 = arith.constant 0 : i32
    %dma_start3A_467 = tpu.memref_slice %arg2[%add3A_462, %dma_start3A_466] : memref<8192x768xf32, #tpu.memory_space<hbm>> -> memref<64x768xf32, #tpu.memory_space<hbm>>
    %dma_start3A_468 = arith.constant 0 : i32
    %dma_start3A_469 = arith.constant 0 : i32
    %dma_start3A_470 = tpu.memref_slice %arg4[%dma_start3A_468, %dma_start3A_469] : memref<64x768xf32, #tpu.memory_space<vmem>> -> memref<64x768xf32, #tpu.memory_space<vmem>>
    %dma_start3A_471 = arith.constant 0 : i32
    %dma_start3A_472 = tpu.memref_slice %arg2[%add3A_462, %dma_start3A_471] : memref<8192x768xf32, #tpu.memory_space<hbm>> -> memref<64x768xf32, #tpu.memory_space<hbm>>
    tpu.enqueue_dma source(%dma_start3A_472 : memref<64x768xf32, #tpu.memory_space<hbm>>) target(%dma_start3A_470 : memref<64x768xf32, #tpu.memory_space<vmem>>) target_semaphore(%arg6 : memref<!tpu.dma_semaphore, #tpu.memory_space<semaphore_mem>>)
    %dma_wait3A_473 = arith.constant 0 : i32
    %dma_wait3A_474 = arith.constant 0 : i32
    %dma_wait3A_475 = tpu.memref_slice %arg4[%dma_wait3A_473, %dma_wait3A_474] : memref<64x768xf32, #tpu.memory_space<vmem>> -> memref<64x768xf32, #tpu.memory_space<vmem>>
    %dma_wait3A_476 = arith.constant 0 : i32
    %dma_wait3A_477 = tpu.memref_slice %arg2[%add3A_462, %dma_wait3A_476] : memref<8192x768xf32, #tpu.memory_space<hbm>> -> memref<64x768xf32, #tpu.memory_space<hbm>>
    %dma_wait3A_478 = arith.constant 0 : i32
    %dma_wait3A_479 = arith.constant 0 : i32
    %dma_wait3A_480 = tpu.memref_slice %arg4[%dma_wait3A_478, %dma_wait3A_479] : memref<64x768xf32, #tpu.memory_space<vmem>> -> memref<64x768xf32, #tpu.memory_space<vmem>>
    %dma_wait3A_481 = arith.constant 0 : i32
    %dma_wait3A_482 = tpu.memref_slice %arg2[%add3A_462, %dma_wait3A_481] : memref<8192x768xf32, #tpu.memory_space<hbm>> -> memref<64x768xf32, #tpu.memory_space<hbm>>
    tpu.wait_dma2 semaphore(%arg6 : memref<!tpu.dma_semaphore, #tpu.memory_space<semaphore_mem>>) src(%dma_wait3A_482 : memref<64x768xf32, #tpu.memory_space<hbm>>) dst(%dma_wait3A_480 : memref<64x768xf32, #tpu.memory_space<vmem>>)
    %add3A_483 = arith.constant 160 : i32
    %add3A_484 = arith.addi %mul3A_2, %add3A_483 : i32
    %dma_start3A_485 = arith.constant 0 : i32
    %dma_start3A_486 = arith.constant 0 : i32
    %dma_start3A_487 = arith.constant 0 : i32
    %dma_start3A_488 = tpu.memref_slice %arg4[%dma_start3A_486, %dma_start3A_487] : memref<64x768xf32, #tpu.memory_space<vmem>> -> memref<64x768xf32, #tpu.memory_space<vmem>>
    %dma_start3A_489 = arith.constant 0 : i32
    %dma_start3A_490 = tpu.memref_slice %arg3[%dma_start3A_485, %add3A_484, %dma_start3A_489] : memref<4x8192x768xf32, #tpu.memory_space<hbm>> -> memref<1x64x768xf32, #tpu.memory_space<hbm>>
    %dma_start3A_491 = tpu.memref_squeeze %dma_start3A_490 : memref<1x64x768xf32, #tpu.memory_space<hbm>> -> memref<64x768xf32, #tpu.memory_space<hbm>>
    %dma_start3A_492 = arith.constant 0 : i32
    %dma_start3A_493 = tpu.memref_slice %arg3[%dma_start3A_485, %add3A_484, %dma_start3A_492] : memref<4x8192x768xf32, #tpu.memory_space<hbm>> -> memref<1x64x768xf32, #tpu.memory_space<hbm>>
    %dma_start3A_494 = tpu.memref_squeeze %dma_start3A_493 : memref<1x64x768xf32, #tpu.memory_space<hbm>> -> memref<64x768xf32, #tpu.memory_space<hbm>>
    %dma_start3A_495 = arith.constant 0 : i32
    %dma_start3A_496 = arith.constant 0 : i32
    %dma_start3A_497 = tpu.memref_slice %arg4[%dma_start3A_495, %dma_start3A_496] : memref<64x768xf32, #tpu.memory_space<vmem>> -> memref<64x768xf32, #tpu.memory_space<vmem>>
    tpu.enqueue_dma source(%dma_start3A_497 : memref<64x768xf32, #tpu.memory_space<vmem>>) target(%dma_start3A_494 : memref<64x768xf32, #tpu.memory_space<hbm>>) target_semaphore(%arg8 : memref<!tpu.dma_semaphore, #tpu.memory_space<semaphore_mem>>)
    %dma_start3A_498 = arith.constant 1 : i32
    %dma_start3A_499 = arith.constant 0 : i32
    %dma_start3A_500 = arith.constant 0 : i32
    %dma_start3A_501 = tpu.memref_slice %arg4[%dma_start3A_499, %dma_start3A_500] : memref<64x768xf32, #tpu.memory_space<vmem>> -> memref<64x768xf32, #tpu.memory_space<vmem>>
    %dma_start3A_502 = arith.constant 0 : i32
    %dma_start3A_503 = tpu.memref_slice %arg3[%dma_start3A_498, %add3A_484, %dma_start3A_502] : memref<4x8192x768xf32, #tpu.memory_space<hbm>> -> memref<1x64x768xf32, #tpu.memory_space<hbm>>
    %dma_start3A_504 = tpu.memref_squeeze %dma_start3A_503 : memref<1x64x768xf32, #tpu.memory_space<hbm>> -> memref<64x768xf32, #tpu.memory_space<hbm>>
    %dma_start3A_505 = arith.constant 0 : i32
    %dma_start3A_506 = tpu.memref_slice %arg3[%dma_start3A_498, %add3A_484, %dma_start3A_505] : memref<4x8192x768xf32, #tpu.memory_space<hbm>> -> memref<1x64x768xf32, #tpu.memory_space<hbm>>
    %dma_start3A_507 = tpu.memref_squeeze %dma_start3A_506 : memref<1x64x768xf32, #tpu.memory_space<hbm>> -> memref<64x768xf32, #tpu.memory_space<hbm>>
    %dma_start3A_508 = arith.constant 0 : i32
    %dma_start3A_509 = arith.constant 0 : i32
    %dma_start3A_510 = tpu.memref_slice %arg4[%dma_start3A_508, %dma_start3A_509] : memref<64x768xf32, #tpu.memory_space<vmem>> -> memref<64x768xf32, #tpu.memory_space<vmem>>
    tpu.enqueue_dma source(%dma_start3A_510 : memref<64x768xf32, #tpu.memory_space<vmem>>) target(%dma_start3A_507 : memref<64x768xf32, #tpu.memory_space<hbm>>) target_semaphore(%arg8 : memref<!tpu.dma_semaphore, #tpu.memory_space<semaphore_mem>>)
    %dma_start3A_511 = arith.constant 2 : i32
    %dma_start3A_512 = arith.constant 0 : i32
    %dma_start3A_513 = arith.constant 0 : i32
    %dma_start3A_514 = tpu.memref_slice %arg4[%dma_start3A_512, %dma_start3A_513] : memref<64x768xf32, #tpu.memory_space<vmem>> -> memref<64x768xf32, #tpu.memory_space<vmem>>
    %dma_start3A_515 = arith.constant 0 : i32
    %dma_start3A_516 = tpu.memref_slice %arg3[%dma_start3A_511, %add3A_484, %dma_start3A_515] : memref<4x8192x768xf32, #tpu.memory_space<hbm>> -> memref<1x64x768xf32, #tpu.memory_space<hbm>>
    %dma_start3A_517 = tpu.memref_squeeze %dma_start3A_516 : memref<1x64x768xf32, #tpu.memory_space<hbm>> -> memref<64x768xf32, #tpu.memory_space<hbm>>
    %dma_start3A_518 = arith.constant 0 : i32
    %dma_start3A_519 = tpu.memref_slice %arg3[%dma_start3A_511, %add3A_484, %dma_start3A_518] : memref<4x8192x768xf32, #tpu.memory_space<hbm>> -> memref<1x64x768xf32, #tpu.memory_space<hbm>>
    %dma_start3A_520 = tpu.memref_squeeze %dma_start3A_519 : memref<1x64x768xf32, #tpu.memory_space<hbm>> -> memref<64x768xf32, #tpu.memory_space<hbm>>
    %dma_start3A_521 = arith.constant 0 : i32
    %dma_start3A_522 = arith.constant 0 : i32
    %dma_start3A_523 = tpu.memref_slice %arg4[%dma_start3A_521, %dma_start3A_522] : memref<64x768xf32, #tpu.memory_space<vmem>> -> memref<64x768xf32, #tpu.memory_space<vmem>>
    tpu.enqueue_dma source(%dma_start3A_523 : memref<64x768xf32, #tpu.memory_space<vmem>>) target(%dma_start3A_520 : memref<64x768xf32, #tpu.memory_space<hbm>>) target_semaphore(%arg8 : memref<!tpu.dma_semaphore, #tpu.memory_space<semaphore_mem>>)
    %dma_start3A_524 = arith.constant 3 : i32
    %dma_start3A_525 = arith.constant 0 : i32
    %dma_start3A_526 = arith.constant 0 : i32
    %dma_start3A_527 = tpu.memref_slice %arg4[%dma_start3A_525, %dma_start3A_526] : memref<64x768xf32, #tpu.memory_space<vmem>> -> memref<64x768xf32, #tpu.memory_space<vmem>>
    %dma_start3A_528 = arith.constant 0 : i32
    %dma_start3A_529 = tpu.memref_slice %arg3[%dma_start3A_524, %add3A_484, %dma_start3A_528] : memref<4x8192x768xf32, #tpu.memory_space<hbm>> -> memref<1x64x768xf32, #tpu.memory_space<hbm>>
    %dma_start3A_530 = tpu.memref_squeeze %dma_start3A_529 : memref<1x64x768xf32, #tpu.memory_space<hbm>> -> memref<64x768xf32, #tpu.memory_space<hbm>>
    %dma_start3A_531 = arith.constant 0 : i32
    %dma_start3A_532 = tpu.memref_slice %arg3[%dma_start3A_524, %add3A_484, %dma_start3A_531] : memref<4x8192x768xf32, #tpu.memory_space<hbm>> -> memref<1x64x768xf32, #tpu.memory_space<hbm>>
    %dma_start3A_533 = tpu.memref_squeeze %dma_start3A_532 : memref<1x64x768xf32, #tpu.memory_space<hbm>> -> memref<64x768xf32, #tpu.memory_space<hbm>>
    %dma_start3A_534 = arith.constant 0 : i32
    %dma_start3A_535 = arith.constant 0 : i32
    %dma_start3A_536 = tpu.memref_slice %arg4[%dma_start3A_534, %dma_start3A_535] : memref<64x768xf32, #tpu.memory_space<vmem>> -> memref<64x768xf32, #tpu.memory_space<vmem>>
    tpu.enqueue_dma source(%dma_start3A_536 : memref<64x768xf32, #tpu.memory_space<vmem>>) target(%dma_start3A_533 : memref<64x768xf32, #tpu.memory_space<hbm>>) target_semaphore(%arg8 : memref<!tpu.dma_semaphore, #tpu.memory_space<semaphore_mem>>)
    %dma_wait3A_537 = arith.constant 0 : i32
    %dma_wait3A_538 = arith.constant 0 : i32
    %dma_wait3A_539 = arith.constant 0 : i32
    %dma_wait3A_540 = tpu.memref_slice %arg5[%dma_wait3A_538, %dma_wait3A_539] : memref<64x768xf32, #tpu.memory_space<vmem>> -> memref<64x768xf32, #tpu.memory_space<vmem>>
    %dma_wait3A_541 = arith.constant 0 : i32
    %dma_wait3A_542 = tpu.memref_slice %arg3[%dma_wait3A_537, %add3A_356, %dma_wait3A_541] : memref<4x8192x768xf32, #tpu.memory_space<hbm>> -> memref<1x64x768xf32, #tpu.memory_space<hbm>>
    %dma_wait3A_543 = tpu.memref_squeeze %dma_wait3A_542 : memref<1x64x768xf32, #tpu.memory_space<hbm>> -> memref<64x768xf32, #tpu.memory_space<hbm>>
    %dma_wait3A_544 = arith.constant 0 : i32
    %dma_wait3A_545 = tpu.memref_slice %arg3[%dma_wait3A_537, %add3A_356, %dma_wait3A_544] : memref<4x8192x768xf32, #tpu.memory_space<hbm>> -> memref<1x64x768xf32, #tpu.memory_space<hbm>>
    %dma_wait3A_546 = tpu.memref_squeeze %dma_wait3A_545 : memref<1x64x768xf32, #tpu.memory_space<hbm>> -> memref<64x768xf32, #tpu.memory_space<hbm>>
    %dma_wait3A_547 = arith.constant 0 : i32
    %dma_wait3A_548 = arith.constant 0 : i32
    %dma_wait3A_549 = tpu.memref_slice %arg5[%dma_wait3A_547, %dma_wait3A_548] : memref<64x768xf32, #tpu.memory_space<vmem>> -> memref<64x768xf32, #tpu.memory_space<vmem>>
    tpu.wait_dma2 semaphore(%arg9 : memref<!tpu.dma_semaphore, #tpu.memory_space<semaphore_mem>>) src(%dma_wait3A_549 : memref<64x768xf32, #tpu.memory_space<vmem>>) dst(%dma_wait3A_546 : memref<64x768xf32, #tpu.memory_space<hbm>>)
    %dma_wait3A_550 = arith.constant 1 : i32
    %dma_wait3A_551 = arith.constant 0 : i32
    %dma_wait3A_552 = arith.constant 0 : i32
    %dma_wait3A_553 = tpu.memref_slice %arg5[%dma_wait3A_551, %dma_wait3A_552] : memref<64x768xf32, #tpu.memory_space<vmem>> -> memref<64x768xf32, #tpu.memory_space<vmem>>
    %dma_wait3A_554 = arith.constant 0 : i32
    %dma_wait3A_555 = tpu.memref_slice %arg3[%dma_wait3A_550, %add3A_356, %dma_wait3A_554] : memref<4x8192x768xf32, #tpu.memory_space<hbm>> -> memref<1x64x768xf32, #tpu.memory_space<hbm>>
    %dma_wait3A_556 = tpu.memref_squeeze %dma_wait3A_555 : memref<1x64x768xf32, #tpu.memory_space<hbm>> -> memref<64x768xf32, #tpu.memory_space<hbm>>
    %dma_wait3A_557 = arith.constant 0 : i32
    %dma_wait3A_558 = tpu.memref_slice %arg3[%dma_wait3A_550, %add3A_356, %dma_wait3A_557] : memref<4x8192x768xf32, #tpu.memory_space<hbm>> -> memref<1x64x768xf32, #tpu.memory_space<hbm>>
    %dma_wait3A_559 = tpu.memref_squeeze %dma_wait3A_558 : memref<1x64x768xf32, #tpu.memory_space<hbm>> -> memref<64x768xf32, #tpu.memory_space<hbm>>
    %dma_wait3A_560 = arith.constant 0 : i32
    %dma_wait3A_561 = arith.constant 0 : i32
    %dma_wait3A_562 = tpu.memref_slice %arg5[%dma_wait3A_560, %dma_wait3A_561] : memref<64x768xf32, #tpu.memory_space<vmem>> -> memref<64x768xf32, #tpu.memory_space<vmem>>
    tpu.wait_dma2 semaphore(%arg9 : memref<!tpu.dma_semaphore, #tpu.memory_space<semaphore_mem>>) src(%dma_wait3A_562 : memref<64x768xf32, #tpu.memory_space<vmem>>) dst(%dma_wait3A_559 : memref<64x768xf32, #tpu.memory_space<hbm>>)
    %dma_wait3A_563 = arith.constant 2 : i32
    %dma_wait3A_564 = arith.constant 0 : i32
    %dma_wait3A_565 = arith.constant 0 : i32
    %dma_wait3A_566 = tpu.memref_slice %arg5[%dma_wait3A_564, %dma_wait3A_565] : memref<64x768xf32, #tpu.memory_space<vmem>> -> memref<64x768xf32, #tpu.memory_space<vmem>>
    %dma_wait3A_567 = arith.constant 0 : i32
    %dma_wait3A_568 = tpu.memref_slice %arg3[%dma_wait3A_563, %add3A_356, %dma_wait3A_567] : memref<4x8192x768xf32, #tpu.memory_space<hbm>> -> memref<1x64x768xf32, #tpu.memory_space<hbm>>
    %dma_wait3A_569 = tpu.memref_squeeze %dma_wait3A_568 : memref<1x64x768xf32, #tpu.memory_space<hbm>> -> memref<64x768xf32, #tpu.memory_space<hbm>>
    %dma_wait3A_570 = arith.constant 0 : i32
    %dma_wait3A_571 = tpu.memref_slice %arg3[%dma_wait3A_563, %add3A_356, %dma_wait3A_570] : memref<4x8192x768xf32, #tpu.memory_space<hbm>> -> memref<1x64x768xf32, #tpu.memory_space<hbm>>
    %dma_wait3A_572 = tpu.memref_squeeze %dma_wait3A_571 : memref<1x64x768xf32, #tpu.memory_space<hbm>> -> memref<64x768xf32, #tpu.memory_space<hbm>>
    %dma_wait3A_573 = arith.constant 0 : i32
    %dma_wait3A_574 = arith.constant 0 : i32
    %dma_wait3A_575 = tpu.memref_slice %arg5[%dma_wait3A_573, %dma_wait3A_574] : memref<64x768xf32, #tpu.memory_space<vmem>> -> memref<64x768xf32, #tpu.memory_space<vmem>>
    tpu.wait_dma2 semaphore(%arg9 : memref<!tpu.dma_semaphore, #tpu.memory_space<semaphore_mem>>) src(%dma_wait3A_575 : memref<64x768xf32, #tpu.memory_space<vmem>>) dst(%dma_wait3A_572 : memref<64x768xf32, #tpu.memory_space<hbm>>)
    %dma_wait3A_576 = arith.constant 3 : i32
    %dma_wait3A_577 = arith.constant 0 : i32
    %dma_wait3A_578 = arith.constant 0 : i32
    %dma_wait3A_579 = tpu.memref_slice %arg5[%dma_wait3A_577, %dma_wait3A_578] : memref<64x768xf32, #tpu.memory_space<vmem>> -> memref<64x768xf32, #tpu.memory_space<vmem>>
    %dma_wait3A_580 = arith.constant 0 : i32
    %dma_wait3A_581 = tpu.memref_slice %arg3[%dma_wait3A_576, %add3A_356, %dma_wait3A_580] : memref<4x8192x768xf32, #tpu.memory_space<hbm>> -> memref<1x64x768xf32, #tpu.memory_space<hbm>>
    %dma_wait3A_582 = tpu.memref_squeeze %dma_wait3A_581 : memref<1x64x768xf32, #tpu.memory_space<hbm>> -> memref<64x768xf32, #tpu.memory_space<hbm>>
    %dma_wait3A_583 = arith.constant 0 : i32
    %dma_wait3A_584 = tpu.memref_slice %arg3[%dma_wait3A_576, %add3A_356, %dma_wait3A_583] : memref<4x8192x768xf32, #tpu.memory_space<hbm>> -> memref<1x64x768xf32, #tpu.memory_space<hbm>>
    %dma_wait3A_585 = tpu.memref_squeeze %dma_wait3A_584 : memref<1x64x768xf32, #tpu.memory_space<hbm>> -> memref<64x768xf32, #tpu.memory_space<hbm>>
    %dma_wait3A_586 = arith.constant 0 : i32
    %dma_wait3A_587 = arith.constant 0 : i32
    %dma_wait3A_588 = tpu.memref_slice %arg5[%dma_wait3A_586, %dma_wait3A_587] : memref<64x768xf32, #tpu.memory_space<vmem>> -> memref<64x768xf32, #tpu.memory_space<vmem>>
    tpu.wait_dma2 semaphore(%arg9 : memref<!tpu.dma_semaphore, #tpu.memory_space<semaphore_mem>>) src(%dma_wait3A_588 : memref<64x768xf32, #tpu.memory_space<vmem>>) dst(%dma_wait3A_585 : memref<64x768xf32, #tpu.memory_space<hbm>>)
    %add3A_589 = arith.constant 224 : i32
    %add3A_590 = arith.addi %mul3A_2, %add3A_589 : i32
    %dma_start3A_591 = arith.constant 0 : i32
    %dma_start3A_592 = arith.constant 0 : i32
    %dma_start3A_593 = tpu.memref_slice %arg5[%dma_start3A_591, %dma_start3A_592] : memref<64x768xf32, #tpu.memory_space<vmem>> -> memref<32x768xf32, #tpu.memory_space<vmem>>
    %dma_start3A_594 = arith.constant 0 : i32
    %dma_start3A_595 = tpu.memref_slice %arg2[%add3A_590, %dma_start3A_594] : memref<8192x768xf32, #tpu.memory_space<hbm>> -> memref<32x768xf32, #tpu.memory_space<hbm>>
    %dma_start3A_596 = arith.constant 0 : i32
    %dma_start3A_597 = arith.constant 0 : i32
    %dma_start3A_598 = tpu.memref_slice %arg5[%dma_start3A_596, %dma_start3A_597] : memref<64x768xf32, #tpu.memory_space<vmem>> -> memref<32x768xf32, #tpu.memory_space<vmem>>
    %dma_start3A_599 = arith.constant 0 : i32
    %dma_start3A_600 = tpu.memref_slice %arg2[%add3A_590, %dma_start3A_599] : memref<8192x768xf32, #tpu.memory_space<hbm>> -> memref<32x768xf32, #tpu.memory_space<hbm>>
    tpu.enqueue_dma source(%dma_start3A_600 : memref<32x768xf32, #tpu.memory_space<hbm>>) target(%dma_start3A_598 : memref<32x768xf32, #tpu.memory_space<vmem>>) target_semaphore(%arg7 : memref<!tpu.dma_semaphore, #tpu.memory_space<semaphore_mem>>)
    %dma_wait3A_601 = arith.constant 0 : i32
    %dma_wait3A_602 = arith.constant 0 : i32
    %dma_wait3A_603 = tpu.memref_slice %arg5[%dma_wait3A_601, %dma_wait3A_602] : memref<64x768xf32, #tpu.memory_space<vmem>> -> memref<32x768xf32, #tpu.memory_space<vmem>>
    %dma_wait3A_604 = arith.constant 0 : i32
    %dma_wait3A_605 = tpu.memref_slice %arg2[%add3A_590, %dma_wait3A_604] : memref<8192x768xf32, #tpu.memory_space<hbm>> -> memref<32x768xf32, #tpu.memory_space<hbm>>
    %dma_wait3A_606 = arith.constant 0 : i32
    %dma_wait3A_607 = arith.constant 0 : i32
    %dma_wait3A_608 = tpu.memref_slice %arg5[%dma_wait3A_606, %dma_wait3A_607] : memref<64x768xf32, #tpu.memory_space<vmem>> -> memref<32x768xf32, #tpu.memory_space<vmem>>
    %dma_wait3A_609 = arith.constant 0 : i32
    %dma_wait3A_610 = tpu.memref_slice %arg2[%add3A_590, %dma_wait3A_609] : memref<8192x768xf32, #tpu.memory_space<hbm>> -> memref<32x768xf32, #tpu.memory_space<hbm>>
    tpu.wait_dma2 semaphore(%arg7 : memref<!tpu.dma_semaphore, #tpu.memory_space<semaphore_mem>>) src(%dma_wait3A_610 : memref<32x768xf32, #tpu.memory_space<hbm>>) dst(%dma_wait3A_608 : memref<32x768xf32, #tpu.memory_space<vmem>>)
    %add3A_611 = arith.constant 224 : i32
    %add3A_612 = arith.addi %mul3A_2, %add3A_611 : i32
    %dma_start3A_613 = arith.constant 0 : i32
    %dma_start3A_614 = arith.constant 0 : i32
    %dma_start3A_615 = arith.constant 0 : i32
    %dma_start3A_616 = tpu.memref_slice %arg5[%dma_start3A_614, %dma_start3A_615] : memref<64x768xf32, #tpu.memory_space<vmem>> -> memref<32x768xf32, #tpu.memory_space<vmem>>
    %dma_start3A_617 = arith.constant 0 : i32
    %dma_start3A_618 = tpu.memref_slice %arg3[%dma_start3A_613, %add3A_612, %dma_start3A_617] : memref<4x8192x768xf32, #tpu.memory_space<hbm>> -> memref<1x32x768xf32, #tpu.memory_space<hbm>>
    %dma_start3A_619 = tpu.memref_squeeze %dma_start3A_618 : memref<1x32x768xf32, #tpu.memory_space<hbm>> -> memref<32x768xf32, #tpu.memory_space<hbm>>
    %dma_start3A_620 = arith.constant 0 : i32
    %dma_start3A_621 = tpu.memref_slice %arg3[%dma_start3A_613, %add3A_612, %dma_start3A_620] : memref<4x8192x768xf32, #tpu.memory_space<hbm>> -> memref<1x32x768xf32, #tpu.memory_space<hbm>>
    %dma_start3A_622 = tpu.memref_squeeze %dma_start3A_621 : memref<1x32x768xf32, #tpu.memory_space<hbm>> -> memref<32x768xf32, #tpu.memory_space<hbm>>
    %dma_start3A_623 = arith.constant 0 : i32
    %dma_start3A_624 = arith.constant 0 : i32
    %dma_start3A_625 = tpu.memref_slice %arg5[%dma_start3A_623, %dma_start3A_624] : memref<64x768xf32, #tpu.memory_space<vmem>> -> memref<32x768xf32, #tpu.memory_space<vmem>>
    tpu.enqueue_dma source(%dma_start3A_625 : memref<32x768xf32, #tpu.memory_space<vmem>>) target(%dma_start3A_622 : memref<32x768xf32, #tpu.memory_space<hbm>>) target_semaphore(%arg9 : memref<!tpu.dma_semaphore, #tpu.memory_space<semaphore_mem>>)
    %dma_start3A_626 = arith.constant 1 : i32
    %dma_start3A_627 = arith.constant 0 : i32
    %dma_start3A_628 = arith.constant 0 : i32
    %dma_start3A_629 = tpu.memref_slice %arg5[%dma_start3A_627, %dma_start3A_628] : memref<64x768xf32, #tpu.memory_space<vmem>> -> memref<32x768xf32, #tpu.memory_space<vmem>>
    %dma_start3A_630 = arith.constant 0 : i32
    %dma_start3A_631 = tpu.memref_slice %arg3[%dma_start3A_626, %add3A_612, %dma_start3A_630] : memref<4x8192x768xf32, #tpu.memory_space<hbm>> -> memref<1x32x768xf32, #tpu.memory_space<hbm>>
    %dma_start3A_632 = tpu.memref_squeeze %dma_start3A_631 : memref<1x32x768xf32, #tpu.memory_space<hbm>> -> memref<32x768xf32, #tpu.memory_space<hbm>>
    %dma_start3A_633 = arith.constant 0 : i32
    %dma_start3A_634 = tpu.memref_slice %arg3[%dma_start3A_626, %add3A_612, %dma_start3A_633] : memref<4x8192x768xf32, #tpu.memory_space<hbm>> -> memref<1x32x768xf32, #tpu.memory_space<hbm>>
    %dma_start3A_635 = tpu.memref_squeeze %dma_start3A_634 : memref<1x32x768xf32, #tpu.memory_space<hbm>> -> memref<32x768xf32, #tpu.memory_space<hbm>>
    %dma_start3A_636 = arith.constant 0 : i32
    %dma_start3A_637 = arith.constant 0 : i32
    %dma_start3A_638 = tpu.memref_slice %arg5[%dma_start3A_636, %dma_start3A_637] : memref<64x768xf32, #tpu.memory_space<vmem>> -> memref<32x768xf32, #tpu.memory_space<vmem>>
    tpu.enqueue_dma source(%dma_start3A_638 : memref<32x768xf32, #tpu.memory_space<vmem>>) target(%dma_start3A_635 : memref<32x768xf32, #tpu.memory_space<hbm>>) target_semaphore(%arg9 : memref<!tpu.dma_semaphore, #tpu.memory_space<semaphore_mem>>)
    %dma_start3A_639 = arith.constant 2 : i32
    %dma_start3A_640 = arith.constant 0 : i32
    %dma_start3A_641 = arith.constant 0 : i32
    %dma_start3A_642 = tpu.memref_slice %arg5[%dma_start3A_640, %dma_start3A_641] : memref<64x768xf32, #tpu.memory_space<vmem>> -> memref<32x768xf32, #tpu.memory_space<vmem>>
    %dma_start3A_643 = arith.constant 0 : i32
    %dma_start3A_644 = tpu.memref_slice %arg3[%dma_start3A_639, %add3A_612, %dma_start3A_643] : memref<4x8192x768xf32, #tpu.memory_space<hbm>> -> memref<1x32x768xf32, #tpu.memory_space<hbm>>
    %dma_start3A_645 = tpu.memref_squeeze %dma_start3A_644 : memref<1x32x768xf32, #tpu.memory_space<hbm>> -> memref<32x768xf32, #tpu.memory_space<hbm>>
    %dma_start3A_646 = arith.constant 0 : i32
    %dma_start3A_647 = tpu.memref_slice %arg3[%dma_start3A_639, %add3A_612, %dma_start3A_646] : memref<4x8192x768xf32, #tpu.memory_space<hbm>> -> memref<1x32x768xf32, #tpu.memory_space<hbm>>
    %dma_start3A_648 = tpu.memref_squeeze %dma_start3A_647 : memref<1x32x768xf32, #tpu.memory_space<hbm>> -> memref<32x768xf32, #tpu.memory_space<hbm>>
    %dma_start3A_649 = arith.constant 0 : i32
    %dma_start3A_650 = arith.constant 0 : i32
    %dma_start3A_651 = tpu.memref_slice %arg5[%dma_start3A_649, %dma_start3A_650] : memref<64x768xf32, #tpu.memory_space<vmem>> -> memref<32x768xf32, #tpu.memory_space<vmem>>
    tpu.enqueue_dma source(%dma_start3A_651 : memref<32x768xf32, #tpu.memory_space<vmem>>) target(%dma_start3A_648 : memref<32x768xf32, #tpu.memory_space<hbm>>) target_semaphore(%arg9 : memref<!tpu.dma_semaphore, #tpu.memory_space<semaphore_mem>>)
    %dma_start3A_652 = arith.constant 3 : i32
    %dma_start3A_653 = arith.constant 0 : i32
    %dma_start3A_654 = arith.constant 0 : i32
    %dma_start3A_655 = tpu.memref_slice %arg5[%dma_start3A_653, %dma_start3A_654] : memref<64x768xf32, #tpu.memory_space<vmem>> -> memref<32x768xf32, #tpu.memory_space<vmem>>
    %dma_start3A_656 = arith.constant 0 : i32
    %dma_start3A_657 = tpu.memref_slice %arg3[%dma_start3A_652, %add3A_612, %dma_start3A_656] : memref<4x8192x768xf32, #tpu.memory_space<hbm>> -> memref<1x32x768xf32, #tpu.memory_space<hbm>>
    %dma_start3A_658 = tpu.memref_squeeze %dma_start3A_657 : memref<1x32x768xf32, #tpu.memory_space<hbm>> -> memref<32x768xf32, #tpu.memory_space<hbm>>
    %dma_start3A_659 = arith.constant 0 : i32
    %dma_start3A_660 = tpu.memref_slice %arg3[%dma_start3A_652, %add3A_612, %dma_start3A_659] : memref<4x8192x768xf32, #tpu.memory_space<hbm>> -> memref<1x32x768xf32, #tpu.memory_space<hbm>>
    %dma_start3A_661 = tpu.memref_squeeze %dma_start3A_660 : memref<1x32x768xf32, #tpu.memory_space<hbm>> -> memref<32x768xf32, #tpu.memory_space<hbm>>
    %dma_start3A_662 = arith.constant 0 : i32
    %dma_start3A_663 = arith.constant 0 : i32
    %dma_start3A_664 = tpu.memref_slice %arg5[%dma_start3A_662, %dma_start3A_663] : memref<64x768xf32, #tpu.memory_space<vmem>> -> memref<32x768xf32, #tpu.memory_space<vmem>>
    tpu.enqueue_dma source(%dma_start3A_664 : memref<32x768xf32, #tpu.memory_space<vmem>>) target(%dma_start3A_661 : memref<32x768xf32, #tpu.memory_space<hbm>>) target_semaphore(%arg9 : memref<!tpu.dma_semaphore, #tpu.memory_space<semaphore_mem>>)
    %dma_wait3A_665 = arith.constant 0 : i32
    %dma_wait3A_666 = arith.constant 0 : i32
    %dma_wait3A_667 = arith.constant 0 : i32
    %dma_wait3A_668 = tpu.memref_slice %arg4[%dma_wait3A_666, %dma_wait3A_667] : memref<64x768xf32, #tpu.memory_space<vmem>> -> memref<64x768xf32, #tpu.memory_space<vmem>>
    %dma_wait3A_669 = arith.constant 0 : i32
    %dma_wait3A_670 = tpu.memref_slice %arg3[%dma_wait3A_665, %add3A_484, %dma_wait3A_669] : memref<4x8192x768xf32, #tpu.memory_space<hbm>> -> memref<1x64x768xf32, #tpu.memory_space<hbm>>
    %dma_wait3A_671 = tpu.memref_squeeze %dma_wait3A_670 : memref<1x64x768xf32, #tpu.memory_space<hbm>> -> memref<64x768xf32, #tpu.memory_space<hbm>>
    %dma_wait3A_672 = arith.constant 0 : i32
    %dma_wait3A_673 = tpu.memref_slice %arg3[%dma_wait3A_665, %add3A_484, %dma_wait3A_672] : memref<4x8192x768xf32, #tpu.memory_space<hbm>> -> memref<1x64x768xf32, #tpu.memory_space<hbm>>
    %dma_wait3A_674 = tpu.memref_squeeze %dma_wait3A_673 : memref<1x64x768xf32, #tpu.memory_space<hbm>> -> memref<64x768xf32, #tpu.memory_space<hbm>>
    %dma_wait3A_675 = arith.constant 0 : i32
    %dma_wait3A_676 = arith.constant 0 : i32
    %dma_wait3A_677 = tpu.memref_slice %arg4[%dma_wait3A_675, %dma_wait3A_676] : memref<64x768xf32, #tpu.memory_space<vmem>> -> memref<64x768xf32, #tpu.memory_space<vmem>>
    tpu.wait_dma2 semaphore(%arg8 : memref<!tpu.dma_semaphore, #tpu.memory_space<semaphore_mem>>) src(%dma_wait3A_677 : memref<64x768xf32, #tpu.memory_space<vmem>>) dst(%dma_wait3A_674 : memref<64x768xf32, #tpu.memory_space<hbm>>)
    %dma_wait3A_678 = arith.constant 1 : i32
    %dma_wait3A_679 = arith.constant 0 : i32
    %dma_wait3A_680 = arith.constant 0 : i32
    %dma_wait3A_681 = tpu.memref_slice %arg4[%dma_wait3A_679, %dma_wait3A_680] : memref<64x768xf32, #tpu.memory_space<vmem>> -> memref<64x768xf32, #tpu.memory_space<vmem>>
    %dma_wait3A_682 = arith.constant 0 : i32
    %dma_wait3A_683 = tpu.memref_slice %arg3[%dma_wait3A_678, %add3A_484, %dma_wait3A_682] : memref<4x8192x768xf32, #tpu.memory_space<hbm>> -> memref<1x64x768xf32, #tpu.memory_space<hbm>>
    %dma_wait3A_684 = tpu.memref_squeeze %dma_wait3A_683 : memref<1x64x768xf32, #tpu.memory_space<hbm>> -> memref<64x768xf32, #tpu.memory_space<hbm>>
    %dma_wait3A_685 = arith.constant 0 : i32
    %dma_wait3A_686 = tpu.memref_slice %arg3[%dma_wait3A_678, %add3A_484, %dma_wait3A_685] : memref<4x8192x768xf32, #tpu.memory_space<hbm>> -> memref<1x64x768xf32, #tpu.memory_space<hbm>>
    %dma_wait3A_687 = tpu.memref_squeeze %dma_wait3A_686 : memref<1x64x768xf32, #tpu.memory_space<hbm>> -> memref<64x768xf32, #tpu.memory_space<hbm>>
    %dma_wait3A_688 = arith.constant 0 : i32
    %dma_wait3A_689 = arith.constant 0 : i32
    %dma_wait3A_690 = tpu.memref_slice %arg4[%dma_wait3A_688, %dma_wait3A_689] : memref<64x768xf32, #tpu.memory_space<vmem>> -> memref<64x768xf32, #tpu.memory_space<vmem>>
    tpu.wait_dma2 semaphore(%arg8 : memref<!tpu.dma_semaphore, #tpu.memory_space<semaphore_mem>>) src(%dma_wait3A_690 : memref<64x768xf32, #tpu.memory_space<vmem>>) dst(%dma_wait3A_687 : memref<64x768xf32, #tpu.memory_space<hbm>>)
    %dma_wait3A_691 = arith.constant 2 : i32
    %dma_wait3A_692 = arith.constant 0 : i32
    %dma_wait3A_693 = arith.constant 0 : i32
    %dma_wait3A_694 = tpu.memref_slice %arg4[%dma_wait3A_692, %dma_wait3A_693] : memref<64x768xf32, #tpu.memory_space<vmem>> -> memref<64x768xf32, #tpu.memory_space<vmem>>
    %dma_wait3A_695 = arith.constant 0 : i32
    %dma_wait3A_696 = tpu.memref_slice %arg3[%dma_wait3A_691, %add3A_484, %dma_wait3A_695] : memref<4x8192x768xf32, #tpu.memory_space<hbm>> -> memref<1x64x768xf32, #tpu.memory_space<hbm>>
    %dma_wait3A_697 = tpu.memref_squeeze %dma_wait3A_696 : memref<1x64x768xf32, #tpu.memory_space<hbm>> -> memref<64x768xf32, #tpu.memory_space<hbm>>
    %dma_wait3A_698 = arith.constant 0 : i32
    %dma_wait3A_699 = tpu.memref_slice %arg3[%dma_wait3A_691, %add3A_484, %dma_wait3A_698] : memref<4x8192x768xf32, #tpu.memory_space<hbm>> -> memref<1x64x768xf32, #tpu.memory_space<hbm>>
    %dma_wait3A_700 = tpu.memref_squeeze %dma_wait3A_699 : memref<1x64x768xf32, #tpu.memory_space<hbm>> -> memref<64x768xf32, #tpu.memory_space<hbm>>
    %dma_wait3A_701 = arith.constant 0 : i32
    %dma_wait3A_702 = arith.constant 0 : i32
    %dma_wait3A_703 = tpu.memref_slice %arg4[%dma_wait3A_701, %dma_wait3A_702] : memref<64x768xf32, #tpu.memory_space<vmem>> -> memref<64x768xf32, #tpu.memory_space<vmem>>
    tpu.wait_dma2 semaphore(%arg8 : memref<!tpu.dma_semaphore, #tpu.memory_space<semaphore_mem>>) src(%dma_wait3A_703 : memref<64x768xf32, #tpu.memory_space<vmem>>) dst(%dma_wait3A_700 : memref<64x768xf32, #tpu.memory_space<hbm>>)
    %dma_wait3A_704 = arith.constant 3 : i32
    %dma_wait3A_705 = arith.constant 0 : i32
    %dma_wait3A_706 = arith.constant 0 : i32
    %dma_wait3A_707 = tpu.memref_slice %arg4[%dma_wait3A_705, %dma_wait3A_706] : memref<64x768xf32, #tpu.memory_space<vmem>> -> memref<64x768xf32, #tpu.memory_space<vmem>>
    %dma_wait3A_708 = arith.constant 0 : i32
    %dma_wait3A_709 = tpu.memref_slice %arg3[%dma_wait3A_704, %add3A_484, %dma_wait3A_708] : memref<4x8192x768xf32, #tpu.memory_space<hbm>> -> memref<1x64x768xf32, #tpu.memory_space<hbm>>
    %dma_wait3A_710 = tpu.memref_squeeze %dma_wait3A_709 : memref<1x64x768xf32, #tpu.memory_space<hbm>> -> memref<64x768xf32, #tpu.memory_space<hbm>>
    %dma_wait3A_711 = arith.constant 0 : i32
    %dma_wait3A_712 = tpu.memref_slice %arg3[%dma_wait3A_704, %add3A_484, %dma_wait3A_711] : memref<4x8192x768xf32, #tpu.memory_space<hbm>> -> memref<1x64x768xf32, #tpu.memory_space<hbm>>
    %dma_wait3A_713 = tpu.memref_squeeze %dma_wait3A_712 : memref<1x64x768xf32, #tpu.memory_space<hbm>> -> memref<64x768xf32, #tpu.memory_space<hbm>>
    %dma_wait3A_714 = arith.constant 0 : i32
    %dma_wait3A_715 = arith.constant 0 : i32
    %dma_wait3A_716 = tpu.memref_slice %arg4[%dma_wait3A_714, %dma_wait3A_715] : memref<64x768xf32, #tpu.memory_space<vmem>> -> memref<64x768xf32, #tpu.memory_space<vmem>>
    tpu.wait_dma2 semaphore(%arg8 : memref<!tpu.dma_semaphore, #tpu.memory_space<semaphore_mem>>) src(%dma_wait3A_716 : memref<64x768xf32, #tpu.memory_space<vmem>>) dst(%dma_wait3A_713 : memref<64x768xf32, #tpu.memory_space<hbm>>)
    %dma_wait3A_717 = arith.constant 0 : i32
    %dma_wait3A_718 = arith.constant 0 : i32
    %dma_wait3A_719 = arith.constant 0 : i32
    %dma_wait3A_720 = tpu.memref_slice %arg5[%dma_wait3A_718, %dma_wait3A_719] : memref<64x768xf32, #tpu.memory_space<vmem>> -> memref<32x768xf32, #tpu.memory_space<vmem>>
    %dma_wait3A_721 = arith.constant 0 : i32
    %dma_wait3A_722 = tpu.memref_slice %arg3[%dma_wait3A_717, %add3A_612, %dma_wait3A_721] : memref<4x8192x768xf32, #tpu.memory_space<hbm>> -> memref<1x32x768xf32, #tpu.memory_space<hbm>>
    %dma_wait3A_723 = tpu.memref_squeeze %dma_wait3A_722 : memref<1x32x768xf32, #tpu.memory_space<hbm>> -> memref<32x768xf32, #tpu.memory_space<hbm>>
    %dma_wait3A_724 = arith.constant 0 : i32
    %dma_wait3A_725 = tpu.memref_slice %arg3[%dma_wait3A_717, %add3A_612, %dma_wait3A_724] : memref<4x8192x768xf32, #tpu.memory_space<hbm>> -> memref<1x32x768xf32, #tpu.memory_space<hbm>>
    %dma_wait3A_726 = tpu.memref_squeeze %dma_wait3A_725 : memref<1x32x768xf32, #tpu.memory_space<hbm>> -> memref<32x768xf32, #tpu.memory_space<hbm>>
    %dma_wait3A_727 = arith.constant 0 : i32
    %dma_wait3A_728 = arith.constant 0 : i32
    %dma_wait3A_729 = tpu.memref_slice %arg5[%dma_wait3A_727, %dma_wait3A_728] : memref<64x768xf32, #tpu.memory_space<vmem>> -> memref<32x768xf32, #tpu.memory_space<vmem>>
    tpu.wait_dma2 semaphore(%arg9 : memref<!tpu.dma_semaphore, #tpu.memory_space<semaphore_mem>>) src(%dma_wait3A_729 : memref<32x768xf32, #tpu.memory_space<vmem>>) dst(%dma_wait3A_726 : memref<32x768xf32, #tpu.memory_space<hbm>>)
    %dma_wait3A_730 = arith.constant 1 : i32
    %dma_wait3A_731 = arith.constant 0 : i32
    %dma_wait3A_732 = arith.constant 0 : i32
    %dma_wait3A_733 = tpu.memref_slice %arg5[%dma_wait3A_731, %dma_wait3A_732] : memref<64x768xf32, #tpu.memory_space<vmem>> -> memref<32x768xf32, #tpu.memory_space<vmem>>
    %dma_wait3A_734 = arith.constant 0 : i32
    %dma_wait3A_735 = tpu.memref_slice %arg3[%dma_wait3A_730, %add3A_612, %dma_wait3A_734] : memref<4x8192x768xf32, #tpu.memory_space<hbm>> -> memref<1x32x768xf32, #tpu.memory_space<hbm>>
    %dma_wait3A_736 = tpu.memref_squeeze %dma_wait3A_735 : memref<1x32x768xf32, #tpu.memory_space<hbm>> -> memref<32x768xf32, #tpu.memory_space<hbm>>
    %dma_wait3A_737 = arith.constant 0 : i32
    %dma_wait3A_738 = tpu.memref_slice %arg3[%dma_wait3A_730, %add3A_612, %dma_wait3A_737] : memref<4x8192x768xf32, #tpu.memory_space<hbm>> -> memref<1x32x768xf32, #tpu.memory_space<hbm>>
    %dma_wait3A_739 = tpu.memref_squeeze %dma_wait3A_738 : memref<1x32x768xf32, #tpu.memory_space<hbm>> -> memref<32x768xf32, #tpu.memory_space<hbm>>
    %dma_wait3A_740 = arith.constant 0 : i32
    %dma_wait3A_741 = arith.constant 0 : i32
    %dma_wait3A_742 = tpu.memref_slice %arg5[%dma_wait3A_740, %dma_wait3A_741] : memref<64x768xf32, #tpu.memory_space<vmem>> -> memref<32x768xf32, #tpu.memory_space<vmem>>
    tpu.wait_dma2 semaphore(%arg9 : memref<!tpu.dma_semaphore, #tpu.memory_space<semaphore_mem>>) src(%dma_wait3A_742 : memref<32x768xf32, #tpu.memory_space<vmem>>) dst(%dma_wait3A_739 : memref<32x768xf32, #tpu.memory_space<hbm>>)
    %dma_wait3A_743 = arith.constant 2 : i32
    %dma_wait3A_744 = arith.constant 0 : i32
    %dma_wait3A_745 = arith.constant 0 : i32
    %dma_wait3A_746 = tpu.memref_slice %arg5[%dma_wait3A_744, %dma_wait3A_745] : memref<64x768xf32, #tpu.memory_space<vmem>> -> memref<32x768xf32, #tpu.memory_space<vmem>>
    %dma_wait3A_747 = arith.constant 0 : i32
    %dma_wait3A_748 = tpu.memref_slice %arg3[%dma_wait3A_743, %add3A_612, %dma_wait3A_747] : memref<4x8192x768xf32, #tpu.memory_space<hbm>> -> memref<1x32x768xf32, #tpu.memory_space<hbm>>
    %dma_wait3A_749 = tpu.memref_squeeze %dma_wait3A_748 : memref<1x32x768xf32, #tpu.memory_space<hbm>> -> memref<32x768xf32, #tpu.memory_space<hbm>>
    %dma_wait3A_750 = arith.constant 0 : i32
    %dma_wait3A_751 = tpu.memref_slice %arg3[%dma_wait3A_743, %add3A_612, %dma_wait3A_750] : memref<4x8192x768xf32, #tpu.memory_space<hbm>> -> memref<1x32x768xf32, #tpu.memory_space<hbm>>
    %dma_wait3A_752 = tpu.memref_squeeze %dma_wait3A_751 : memref<1x32x768xf32, #tpu.memory_space<hbm>> -> memref<32x768xf32, #tpu.memory_space<hbm>>
    %dma_wait3A_753 = arith.constant 0 : i32
    %dma_wait3A_754 = arith.constant 0 : i32
    %dma_wait3A_755 = tpu.memref_slice %arg5[%dma_wait3A_753, %dma_wait3A_754] : memref<64x768xf32, #tpu.memory_space<vmem>> -> memref<32x768xf32, #tpu.memory_space<vmem>>
    tpu.wait_dma2 semaphore(%arg9 : memref<!tpu.dma_semaphore, #tpu.memory_space<semaphore_mem>>) src(%dma_wait3A_755 : memref<32x768xf32, #tpu.memory_space<vmem>>) dst(%dma_wait3A_752 : memref<32x768xf32, #tpu.memory_space<hbm>>)
    %dma_wait3A_756 = arith.constant 3 : i32
    %dma_wait3A_757 = arith.constant 0 : i32
    %dma_wait3A_758 = arith.constant 0 : i32
    %dma_wait3A_759 = tpu.memref_slice %arg5[%dma_wait3A_757, %dma_wait3A_758] : memref<64x768xf32, #tpu.memory_space<vmem>> -> memref<32x768xf32, #tpu.memory_space<vmem>>
    %dma_wait3A_760 = arith.constant 0 : i32
    %dma_wait3A_761 = tpu.memref_slice %arg3[%dma_wait3A_756, %add3A_612, %dma_wait3A_760] : memref<4x8192x768xf32, #tpu.memory_space<hbm>> -> memref<1x32x768xf32, #tpu.memory_space<hbm>>
    %dma_wait3A_762 = tpu.memref_squeeze %dma_wait3A_761 : memref<1x32x768xf32, #tpu.memory_space<hbm>> -> memref<32x768xf32, #tpu.memory_space<hbm>>
    %dma_wait3A_763 = arith.constant 0 : i32
    %dma_wait3A_764 = tpu.memref_slice %arg3[%dma_wait3A_756, %add3A_612, %dma_wait3A_763] : memref<4x8192x768xf32, #tpu.memory_space<hbm>> -> memref<1x32x768xf32, #tpu.memory_space<hbm>>
    %dma_wait3A_765 = tpu.memref_squeeze %dma_wait3A_764 : memref<1x32x768xf32, #tpu.memory_space<hbm>> -> memref<32x768xf32, #tpu.memory_space<hbm>>
    %dma_wait3A_766 = arith.constant 0 : i32
    %dma_wait3A_767 = arith.constant 0 : i32
    %dma_wait3A_768 = tpu.memref_slice %arg5[%dma_wait3A_766, %dma_wait3A_767] : memref<64x768xf32, #tpu.memory_space<vmem>> -> memref<32x768xf32, #tpu.memory_space<vmem>>
    tpu.wait_dma2 semaphore(%arg9 : memref<!tpu.dma_semaphore, #tpu.memory_space<semaphore_mem>>) src(%dma_wait3A_768 : memref<32x768xf32, #tpu.memory_space<vmem>>) dst(%dma_wait3A_765 : memref<32x768xf32, #tpu.memory_space<hbm>>)
    return
  }
}

</mosaic_0001>

<sc_bundles>
// kernel: kernel.3.cloned.1.call-start
scs
__scs_entry_jumppad:
0x0: {  	(pc) =	sbr.rel $0x88, $3  }
0x1: {  	(tag) =	ssettag $0x0;
	lr =	simm.s32 $0x1  }
0x2: {  	[smem:$0x3FA0] =	sst lr;
	_ =	strace $0xD0000000  }
0x3: {  	_ = 	snop  }
0x4: {  	_ = 	snop  }
0x5: {  	_ = 	snop  }
0x6: {  	_ = 	snop  }
0x7: {  	_ = 	snop  }
__scs_overlays_trampoline_lowered:
0x8: {  	[smem:$0x3FAF] =	sst s0  }
0x9: {  	[smem:$0x3FB0] =	sst s1  }
0xa: {  	[smem:$0x3FB1] =	sst s2  }
0xb: {  	[smem:$0x3FB2] =	sst s3  }
0xc: {  	[smem:$0x3FB3] =	sst s4  }
0xd: {  	[smem:$0x3FB4] =	sst s5  }
0xe: {  	[smem:$0x3FB5] =	sst s6  }
0xf: {  	[smem:$0x3FB6] =	sst s7  }
0x10: {  	[smem:$0x3FB7] =	sst s8  }
0x11: {  	[smem:$0x3FB8] =	sst s9;
	s0 =	simm.s32 @!p0 $0x0  }
0x12: {  	s1 =	sld [smem:$0x3F9E];
	s0 =	simm.s32 @p0 $0x1  }
0x13: {  	[smem:$0x3FB9] =	sst s0;
	s0 =	simm.s32 @!p1 $0x0  }
0x14: {  	s2 =	sld [smem:$0x3F9D];
	s0 =	simm.s32 @p1 $0x1  }
0x15: {  	[smem:$0x3FBA] =	sst s0;
	s0 =	simm.s32 @!p2 $0x0  }
0x16: {  	s3 =	sld [smem:$0x3FDB];
	s0 =	simm.s32 @p2 $0x1  }
0x17: {  	s4 =	simm.s32 $0x1BF5;
	[smem:$0x3FBC] =	sst s0  }
0x18: {  	s0 =	sld [smem:$0x3F9F];
	_ =	swait.ge [sflag:s4], $0x0  }
0x19: {  	s7 =	sld [smem:$0x3FA0]  }
0x1a: {  	s8 =	sadd.s32 $0xFFFFE003, lr  }
0x1b: {  	s9 =	sadd.s32 $0xFFFFFEF7, lr;
	s5 =	simm.s32 $0xFFFFFFFF;
	p2 =	slt.u32 s8, $0xFFFFF086  }
0x1c: {  	p1 =	slt.u32 s9, $0xF7A;
	s5 =	simm.s32 @!p2 $0x0  }
0x1d: {  	s5 =	simm.s32 @p1 $0x1;
	p0 =	seq.s32 s7, s2  }
0x1e: {  	s7 =	smul.u32 @!p0 $0xF7A, s2;
	p2 =	seq.s32 @!p0 s5, $0x0  }
0x1f: {  	s9 =	smul.u32 $0xF7A, s1;
	s8 =	simm.s32 @!p0 $0x1BF5;
	p2 =	por !p2, p0  }
0x20: {  	[sflag:s8] =	ssyncset.s32 @!p0 $0xFFFFF086;
	s6 =	sadd.s32 @!p0 s3, s7;
	s7 =	simm.s32 @!p0 $0x108  }
0x21: {  	s3 =	sadd.s32 s3, s9;
	s6 =	sadd.s32 @!p0 $0x88, s6;
	s7 =	simm.s32 @p2 $0x1082  }
0x22: {  	[simem:s7], [sflag:s8] =	dma.local @!p0 [hbm:s6], $0xF7A  }
0x23: {  	s9 =	sor.u32 $0xD0000000, s2;
	s6 =	simm.s32 $0x108;
	_ =	swait.ge @!p0 [sflag:s8], $0x0  }
0x24: {  	s3 =	sadd.s32 $0x88, s3;
	s6 =	simm.s32 @!p1 $0x1082;
	[sflag:s4] =	ssyncset.s32 $0xFFFFF086  }
0x25: {  	[simem:s6], [sflag:s4] =	dma.local [hbm:s3], $0xF7A  }
0x26: {  	[smem:$0x3FA0] =	sst s1;
	(tag) =	ssettag s2;
	_ =	strace s9  }
0x27: {  	s1 =	sld [smem:$0x3FB0]  }
0x28: {  	s2 =	sld [smem:$0x3FB1]  }
0x29: {  	s4 =	sld [smem:$0x3FB3]  }
0x2a: {  	p0 =	seq.s32 s5, $0x0;
	s5 =	sld [smem:$0x3FB4]  }
0x2b: {  	s6 =	sld [smem:$0x3FB5]  }
0x2c: {  	s7 =	sld [smem:$0x3FB6]  }
0x2d: {  	s3 =	simm.s32 $0x108;
	s8 =	sld [smem:$0x3FB7]  }
0x2e: {  	s3 =	simm.s32 @!p0 $0x1082;
	s9 =	sld [smem:$0x3FB8]  }
0x2f: {  	lr =	sadd.s32 s0, s3;
	s0 =	sld [smem:$0x3FAF]  }
0x30: {  	s3 =	sld [smem:$0x3FB2]  }
0x31: {  	[smem:$0x3FBB] =	sst s10  }
0x32: {  	s10 =	sld [smem:$0x3FB9];
	_ =	sdelay $0x3  }
0x33: {  	p0 =	seq.s32 s10, $0x1;
	s10 =	sld [smem:$0x3FBB];
	_ =	sdelay $0x3  }
0x34: {  	[smem:$0x3FBB] =	sst s10  }
0x35: {  	s10 =	sld [smem:$0x3FBA];
	_ =	sdelay $0x3  }
0x36: {  	p1 =	seq.s32 s10, $0x1;
	s10 =	sld [smem:$0x3FBB];
	_ =	sdelay $0x3  }
0x37: {  	[smem:$0x3FBB] =	sst s10  }
0x38: {  	s10 =	sld [smem:$0x3FBC]  }
0x39: {  	_ = 	snop;
	(pc) =	sbr.ind lr, $3  }
0x3a: {  	_ = 	snop  }
0x3b: {  	_ = 	snop  }
0x3c: {  	p2 =	seq.s32 s10, $0x1;
	s10 =	sld [smem:$0x3FBB]  }
0x3d: {  	_ =	shalt  }
0x3e: {  	_ =	shalt  }
0x3f: {  	_ =	shalt  }
0x40: {  	_ =	shalt  }
0x41: {  	_ =	shalt  }
0x42: {  	_ =	shalt  }
0x43: {  	_ =	shalt  }
0x44: {  	_ =	shalt  }
0x45: {  	_ =	shalt  }
0x46: {  	_ =	shalt  }
0x47: {  	_ =	shalt  }
0x48: {  	_ =	shalt  }
0x49: {  	_ =	shalt  }
0x4a: {  	_ =	shalt  }
0x4b: {  	_ =	shalt  }
0x4c: {  	_ =	shalt  }
0x4d: {  	_ =	shalt  }
0x4e: {  	_ =	shalt  }
0x4f: {  	_ =	shalt  }
0x50: {  	_ =	shalt  }
0x51: {  	_ =	shalt  }
0x52: {  	_ =	shalt  }
0x53: {  	_ =	shalt  }
0x54: {  	_ =	shalt  }
0x55: {  	_ =	shalt  }
0x56: {  	_ =	shalt  }
0x57: {  	_ =	shalt  }
0x58: {  	_ =	shalt  }
0x59: {  	_ =	shalt  }
0x5a: {  	_ =	shalt  }
0x5b: {  	_ =	shalt  }
0x5c: {  	_ =	shalt  }
0x5d: {  	_ =	shalt  }
0x5e: {  	_ =	shalt  }
0x5f: {  	_ =	shalt  }
0x60: {  	_ =	shalt  }
0x61: {  	_ =	shalt  }
0x62: {  	_ =	shalt  }
0x63: {  	_ =	shalt  }
0x64: {  	_ =	shalt  }
0x65: {  	_ =	shalt  }
0x66: {  	_ =	shalt  }
0x67: {  	_ =	shalt  }
0x68: {  	_ =	shalt  }
0x69: {  	_ =	shalt  }
0x6a: {  	_ =	shalt  }
0x6b: {  	_ =	shalt  }
0x6c: {  	_ =	shalt  }
0x6d: {  	_ =	shalt  }
0x6e: {  	_ =	shalt  }
0x6f: {  	_ =	shalt  }
0x70: {  	_ =	shalt  }
0x71: {  	_ =	shalt  }
0x72: {  	_ =	shalt  }
0x73: {  	_ =	shalt  }
0x74: {  	_ =	shalt  }
0x75: {  	_ =	shalt  }
0x76: {  	_ =	shalt  }
0x77: {  	_ =	shalt  }
0x78: {  	_ =	shalt  }
0x79: {  	_ =	shalt  }
0x7a: {  	_ =	shalt  }
0x7b: {  	_ =	shalt  }
0x7c: {  	_ =	shalt  }
0x7d: {  	_ =	shalt  }
0x7e: {  	_ =	shalt  }
0x7f: {  	_ =	shalt  }
0x80: {  	_ =	shalt  }
0x81: {  	_ =	shalt  }
0x82: {  	_ =	shalt  }
0x83: {  	_ =	shalt  }
0x84: {  	_ =	shalt  }
0x85: {  	_ =	shalt  }
0x86: {  	_ =	shalt  }
0x87: {  	_ =	shalt  }
.Lfunc_end0:
.L_simem_size_0:
called_computation_lowered:
.L_overlay_start_0:
0x88: {  	s2 =	sld [smem:$0x3FD9]  }
0x89: {  	s3 =	sld [smem:$0x3FFE];
	_ =	sdelay $0x1  }
0x8a: {  	s1 =	srdreg.scid  }
0x8b: {  	s0 =	sand.u32 $0x1, s1  }
0x8c: {  	s18 =	sshll.u32 s0, $0xA;
	s2 =	sadd.s32 s3, s2  }
0x8d: {  	s2 =	sadd.s32 s2, s18  }
0x8e: {  	[smem:$0x3FC7] =	sst s2  }
0x8f: {  	_ = 	snop  }
0x90: {  	s2 =	sld [smem:$0x3FC9]  }
0x91: {  	s19 =	sld [smem:$0x3FD0];
	(tm) =	ssettm $0x1  }
0x92: {  	s4 =	sld [smem:$0x3FFB];
	_ =	sdelay $0x3  }
0x93: {  	_ =	strace s4  }
0x94: {  	s4 =	sld [smem:$0x3FFC];
	_ =	sdelay $0x3  }
0x95: {  	_ =	strace s4  }
0x96: {  	s4 =	sld [smem:$0x3FFD];
	_ =	sdelay $0x3  }
0x97: {  	_ =	strace s4  }
0x98: {  	_ =	strace $0x8FFFFFFF  }
0x99: {  	s20 =	sld [smem:$0x3FDB];
	_ =	sdelay $0x1  }
0x9a: {  	s5 =	simm.s32 $_scs_section_size  }
0x9b: {  	s6 =	simm.s32 $_size__tile_overlayer_lowered;
	s7 =	simm.s32 $_tile_overlayer_lowered  }
0x9c: {  	s23 =	simm.s32 $0x1BFF;
	s22 =	sshll.u32 s7, $0x1;
	s4 =	sadd.s32 s5, s20  }
0x9d: {  	s8 =	simm.s32 $0x0;
	s21 =	sshll.u32 s6, $0x1;
	s6 =	sadd.s32 s22, s4  }
0x9e: {  	[timem:s8], [sflag:s23] =	dma.local [hbm:s6], s21  }
0x9f: {  	_ =	swait.ge [sflag:s23], s21  }
0xa0: {  	s5 =	ssub.s32 $0x0, s21;
	[sflag:s23] =	ssyncset.done $0x0  }
0xa1: {  	[sflag:s23] =	ssyncadd.s32 s5;
	_ =	sdelay $0x1  }
0xa2: {  	s24 =	simm.s32 $0x1B8B  }
0xa3: {  	_ =	swait.ge [sflag:s24], $0x1  }
0xa4: {  	[sflag:s24] =	ssyncset.done $0x0  }
0xa5: {  	s25 =	simm.s32 $0x1B8E;
	[sflag:s24] =	ssyncadd.s32 $0xFFFFFFFF  }
0xa6: {  	s26 =	simm.s32 $execute0_lowered;
	[smem:$0x3FD2] =	sst s25  }
0xa7: {  	s5 =	sshll.u32 s26, $0x1;
	_ =	strace $0x80000046;
	[dreg:$0x1] =	wrdreg $0xFFFFFFFF  }
0xa8: {  	s28 =	simm.s32 $_size_execute0_lowered;
	s4 =	sadd.s32 s4, s5;
	[dreg:$0x0] =	wrdreg $0x0  }
0xa9: {  	s5 =	sshll.u32 s28, $0x1;
	[dreg:$0x2] =	wrdreg s4  }
0xaa: {  	[dreg:$0x3] =	wrdreg s5  }
0xab: {  	[dreg:$0x4] =	wrdreg $0xC0  }
0xac: {  	_ =	task [dreg:s8], $0x5FFFF  }
0xad: {  	[dreg:$0x1] =	wrdreg $0xFFFFFFFF  }
0xae: {  	[dreg:$0x0] =	wrdreg $0x60  }
0xaf: {  	[dreg:$0x2] =	wrdreg s2  }
0xb0: {  	[dreg:$0x3] =	wrdreg s19  }
0xb1: {  	[dreg:$0x4] =	wrdreg $0x9  }
0xb2: {  	_ =	task.clear_ibuf [dreg:s8], $0x5FFFF;
	_ =	strace $0x90000046  }
0xb3: {  	s29 =	simm.s32 $0x9;
	_ =	strace $0x80000048  }
0xb4: {  	_ =	swait.ge [sflag:s29], $0x1  }
0xb5: {  	[sflag:s29] =	ssyncadd.s32 $0xFFFFFFFF  }
0xb6: {  	_ =	strace $0x90000048  }
0xb7: {  	_ =	sfence  }
0xb8: {  	s30 =	sld [smem:$0x0];
	_ =	sdelay $0x2  }
0xb9: {  	s31 =	sshll.u32 s1, $0xD;
	s1 =	sshrl.u32 s1, $0x2  }
0xba: {  	s3 =	sand.u32 $0x4000, s31;
	s1 =	sadd.s32 s1, s30  }
0xbb: {  	s0 =	sor.u32 s3, s0;
	s1 =	sshll.u32 s1, $0x11  }
0xbc: {  	s0 =	sor.u32 s1, s0  }
0xbd: {  	s0 =	sadd.s32 $0x8F2B, s0  }
0xbe: {  	[sflag:s0] =	ssyncadd.remote.s32 $0x1  }
0xbf: {  	_ =	sfence.sel $0xFFFF  }
0xc0: {  	[dreg:$0x0] =	wrdreg $0xFFFFFFFF;
	(pc) =	sbr.abs _section_cstart, $3  }
0xc1: {  	[dreg:$0x1] =	wrdreg $0xFFFFFFFF  }
0xc2: {  	_ =	task.clear_ibuf [dreg:s8], $0x2FFFF;
	_ =	strace $0x9FFFFFFF  }
0xc3: {  	(tm) =	ssettm $0x7FFFFFFF  }
tec
execute0_lowered:
.L_overlay_start_1:
0x0: {  	(tag) =	ssettag $0x1  }
0x1: {  	s0 =	srdreg.scid  }
0x2: {  	s1 =	stileid.u32;
	s3 =	rddreg [dreg:$0x0]  }
0x3: {  	s4 =	rddreg [dreg:$0x1];
	p0 =	por $0x0, $0x0;
	s0 =	sand.u32 $0x1, s0  }
0x4: {  	s1 =	sshll.u32 s1, $0x6;
	s2 =	sshll.u32 s0, $0x5;
	s0 =	ssub.s32 $0x2, s0  }
0x5: {  	s10 =	simm.s32 $0xC000;
	s1 =	sor.u32 s2, s1;
	s7 =	sshrl.u32 s0, $0x1  }
0x6: {  	s2 =	simm.s32 $0x0;
	s1 =	smul.u32 $0x1800, s1;
	s0 =	ssub.s32 s0, s7  }
0x7: {  	s11 =	simm.s32 $0x2;
	[smem:$0x7FF] =	sst s2;
	s0 =	smax.u32 s0, $0x1  }
0x8: {  	_ =	strace $0x80000047;
	s1 =	sshrl.u32 s1, $0x3;
	p1 =	sne.s32 s0, $0x1  }
0x9: {  	s5 =	sadd.s32 s3, s1;
	s6 =	sor.u32 $0x300, s1;
	s29 =	sadd.s32 s4, s1  }
0xa: {  	s19 =	sor.u32 $0xC00, s1;
	s20 =	sadd.s32 $0x2400, s1;
	s21 =	sadd.s32 $0x3C00, s1  }
0xb: {  	s1 =	sadd.s32 $0x5400, s1;
	[dreg:$0x3] =	wrdreg s5;
	s13 =	sadd.s32 s3, s6  }
0xc: {  	s14 =	sadd.s32 $0xC0000, s29;
	s15 =	sadd.s32 $0x180000, s29;
	s16 =	sadd.s32 $0x240000, s29  }
0xd: {  	s17 =	sadd.s32 s4, s6;
	s18 =	sadd.s32 $0xC0300, s29;
	s30 =	sadd.s32 $0x180300, s29  }
0xe: {  	s31 =	sadd.s32 $0x240300, s29;
	s28 =	sadd.s32 s3, s19;
	s23 =	sadd.s32 $0x180C00, s29  }
0xf: {  	s24 =	sadd.s32 s4, s19;
	s26 =	sadd.s32 $0xC0C00, s29;
	s25 =	sadd.s32 $0x240C00, s29  }
0x10: {  	s22 =	sadd.s32 s3, s20;
	s19 =	sadd.s32 $0x242400, s29;
	[dreg:$0x4] =	wrdreg s13  }
0x11: {  	s12 =	sadd.s32 $0x183C00, s29;
	s8 =	sadd.s32 s3, s1;
	[dreg:$0x5] =	wrdreg s14  }
0x12: {  	s5 =	sadd.s32 s4, s1;
	s6 =	sadd.s32 $0xC5400, s29;
	[dreg:$0x6] =	wrdreg s15  }
0x13: {  	s7 =	sadd.s32 $0x185400, s29;
	s1 =	sadd.s32 $0xFFFFFFFF, s0;
	[dreg:$0x7] =	wrdreg s16  }
.Ltmp0:
0x14: {  	s9 =	sadd.s32 $0x245400, s29;
	[dreg:$0x8] =	wrdreg s17;
	(pc) =	sbr.rel @!p1 .LBB2_5-.Ltmp0, $4  }
0x15: {  	[dreg:$0x9] =	wrdreg s18;
	s18 =	sadd.s32 s4, s20;
	s17 =	sadd.s32 $0x182400, s29  }
0x16: {  	s20 =	sadd.s32 $0xC2400, s29;
	s16 =	sadd.s32 s3, s21;
	s13 =	sadd.s32 s4, s21  }
0x17: {  	s15 =	sadd.s32 $0xC3C00, s29;
	s14 =	sadd.s32 $0x243C00, s29;
	s21 =	simm.s32 $0x1  }
0x18: {  	s4 =	simm.s32 $0x3;
	s3 =	simm.s32 $0x4;
	s0 =	rddreg [dreg:$0x3]  }
0x19: {  	[dreg:$0xb] =	wrdreg s1  }
0x1a: {  	[tilespmem:s2], [sflag:$0x1] =	stream.linear.gather [hbm4b:s0+s2], $0x1800, $0x38;
	[tilespmem:$0x18000] =	vst v63  }
0x1b: {  	s1 =	rddreg [dreg:$0x4]  }
0x1c: {  	[tilespmem:s10], [sflag:$0x2] =	stream.linear.gather [hbm4b:s1+s2], $0x4800, $0x38;
	[tilespmem:$0x18000] =	vst v63  }
0x1d: {  	_ =	swait.ge [sflag:s21], $0x1800  }
0x1e: {  	[sflag:s21] =	ssyncset.done $0x0  }
0x1f: {  	[sflag:s21] =	ssyncadd.s32 $0xFFFFE800  }
0x20: {  	[hbm4b:s29+s2] =	stream.linear.scatter [tilespmem:s2], [sflag:$0x3], $0x1800, $0x38;
	[tilespmem:$0x18000] =	vst v63  }
0x21: {  	s0 =	rddreg [dreg:$0x5]  }
0x22: {  	[hbm4b:s0+s2] =	stream.linear.scatter [tilespmem:s2], [sflag:$0x3], $0x1800, $0x38;
	[tilespmem:$0x18000] =	vst v63  }
0x23: {  	s1 =	rddreg [dreg:$0x6]  }
0x24: {  	[hbm4b:s1+s2] =	stream.linear.scatter [tilespmem:s2], [sflag:$0x3], $0x1800, $0x38;
	[tilespmem:$0x18000] =	vst v63  }
0x25: {  	s0 =	rddreg [dreg:$0x7]  }
0x26: {  	[hbm4b:s0+s2] =	stream.linear.scatter [tilespmem:s2], [sflag:$0x3], $0x1800, $0x38;
	[tilespmem:$0x18000] =	vst v63  }
0x27: {  	_ =	swait.ge [sflag:s11], $0x4800  }
0x28: {  	[sflag:s11] =	ssyncset.done $0x0  }
0x29: {  	s0 =	rddreg [dreg:$0x8];
	[sflag:s11] =	ssyncadd.s32 $0xFFFFB800  }
0x2a: {  	[hbm4b:s0+s2] =	stream.linear.scatter [tilespmem:s10], [sflag:$0x4], $0x4800, $0x38;
	[tilespmem:$0x18000] =	vst v63  }
0x2b: {  	s1 =	rddreg [dreg:$0x9]  }
0x2c: {  	[hbm4b:s1+s2] =	stream.linear.scatter [tilespmem:s10], [sflag:$0x4], $0x4800, $0x38;
	[tilespmem:$0x18000] =	vst v63  }
0x2d: {  	_ = 	snop  }
0x2e: {  	[hbm4b:s30+s2] =	stream.linear.scatter [tilespmem:s10], [sflag:$0x4], $0x4800, $0x38;
	[tilespmem:$0x18000] =	vst v63  }
0x2f: {  	_ = 	snop  }
0x30: {  	[hbm4b:s31+s2] =	stream.linear.scatter [tilespmem:s10], [sflag:$0x4], $0x4800, $0x38;
	[tilespmem:$0x18000] =	vst v63  }
0x31: {  	_ =	swait.ge [sflag:s4], $0x1800  }
0x32: {  	[sflag:s4] =	ssyncset.done $0x0  }
0x33: {  	[sflag:s4] =	ssyncadd.s32 $0xFFFFE800  }
0x34: {  	_ =	swait.ge [sflag:s4], $0x1800  }
0x35: {  	[sflag:s4] =	ssyncset.done $0x0  }
0x36: {  	[sflag:s4] =	ssyncadd.s32 $0xFFFFE800  }
0x37: {  	_ =	swait.ge [sflag:s4], $0x1800  }
0x38: {  	[sflag:s4] =	ssyncset.done $0x0  }
0x39: {  	[sflag:s4] =	ssyncadd.s32 $0xFFFFE800  }
0x3a: {  	_ =	swait.ge [sflag:s4], $0x1800  }
0x3b: {  	[sflag:s4] =	ssyncset.done $0x0  }
0x3c: {  	[sflag:s4] =	ssyncadd.s32 $0xFFFFE800  }
0x3d: {  	[tilespmem:s2], [sflag:$0x1] =	stream.linear.gather [hbm4b:s28+s2], $0xC000, $0x38;
	[tilespmem:$0x18000] =	vst v63  }
0x3e: {  	_ =	swait.ge [sflag:s21], $0xC000  }
0x3f: {  	[sflag:s21] =	ssyncset.done $0x0  }
0x40: {  	[sflag:s21] =	ssyncadd.s32 $0xFFFF4000  }
0x41: {  	[hbm4b:s24+s2] =	stream.linear.scatter [tilespmem:s2], [sflag:$0x3], $0xC000, $0x38;
	[tilespmem:$0x18000] =	vst v63  }
0x42: {  	_ = 	snop  }
0x43: {  	[hbm4b:s26+s2] =	stream.linear.scatter [tilespmem:s2], [sflag:$0x3], $0xC000, $0x38;
	[tilespmem:$0x18000] =	vst v63  }
0x44: {  	_ = 	snop  }
0x45: {  	[hbm4b:s23+s2] =	stream.linear.scatter [tilespmem:s2], [sflag:$0x3], $0xC000, $0x38;
	[tilespmem:$0x18000] =	vst v63  }
0x46: {  	_ = 	snop  }
0x47: {  	[hbm4b:s25+s2] =	stream.linear.scatter [tilespmem:s2], [sflag:$0x3], $0xC000, $0x38;
	[tilespmem:$0x18000] =	vst v63  }
0x48: {  	_ =	swait.ge [sflag:s3], $0x4800  }
0x49: {  	[sflag:s3] =	ssyncset.done $0x0  }
0x4a: {  	[sflag:s3] =	ssyncadd.s32 $0xFFFFB800  }
0x4b: {  	_ =	swait.ge [sflag:s3], $0x4800  }
0x4c: {  	[sflag:s3] =	ssyncset.done $0x0  }
0x4d: {  	[sflag:s3] =	ssyncadd.s32 $0xFFFFB800  }
0x4e: {  	_ =	swait.ge [sflag:s3], $0x4800  }
0x4f: {  	[sflag:s3] =	ssyncset.done $0x0  }
0x50: {  	[sflag:s3] =	ssyncadd.s32 $0xFFFFB800  }
0x51: {  	_ =	swait.ge [sflag:s3], $0x4800  }
0x52: {  	[sflag:s3] =	ssyncset.done $0x0  }
0x53: {  	[sflag:s3] =	ssyncadd.s32 $0xFFFFB800  }
0x54: {  	[tilespmem:s10], [sflag:$0x2] =	stream.linear.gather [hbm4b:s22+s2], $0xC000, $0x38;
	[tilespmem:$0x18000] =	vst v63  }
0x55: {  	_ =	swait.ge [sflag:s11], $0xC000  }
0x56: {  	[sflag:s11] =	ssyncset.done $0x0  }
0x57: {  	[sflag:s11] =	ssyncadd.s32 $0xFFFF4000  }
0x58: {  	[hbm4b:s18+s2] =	stream.linear.scatter [tilespmem:s10], [sflag:$0x4], $0xC000, $0x38;
	[tilespmem:$0x18000] =	vst v63  }
0x59: {  	_ = 	snop  }
0x5a: {  	[hbm4b:s20+s2] =	stream.linear.scatter [tilespmem:s10], [sflag:$0x4], $0xC000, $0x38;
	[tilespmem:$0x18000] =	vst v63  }
0x5b: {  	_ = 	snop  }
0x5c: {  	[hbm4b:s17+s2] =	stream.linear.scatter [tilespmem:s10], [sflag:$0x4], $0xC000, $0x38;
	[tilespmem:$0x18000] =	vst v63  }
0x5d: {  	_ = 	snop  }
0x5e: {  	[hbm4b:s19+s2] =	stream.linear.scatter [tilespmem:s10], [sflag:$0x4], $0xC000, $0x38;
	[tilespmem:$0x18000] =	vst v63  }
0x5f: {  	_ =	swait.ge [sflag:s4], $0xC000  }
0x60: {  	[sflag:s4] =	ssyncset.done $0x0  }
0x61: {  	[sflag:s4] =	ssyncadd.s32 $0xFFFF4000  }
0x62: {  	_ =	swait.ge [sflag:s4], $0xC000  }
0x63: {  	[sflag:s4] =	ssyncset.done $0x0  }
0x64: {  	[sflag:s4] =	ssyncadd.s32 $0xFFFF4000  }
0x65: {  	_ =	swait.ge [sflag:s4], $0xC000  }
0x66: {  	[sflag:s4] =	ssyncset.done $0x0  }
0x67: {  	[sflag:s4] =	ssyncadd.s32 $0xFFFF4000  }
0x68: {  	_ =	swait.ge [sflag:s4], $0xC000  }
0x69: {  	[sflag:s4] =	ssyncset.done $0x0  }
0x6a: {  	[sflag:s4] =	ssyncadd.s32 $0xFFFF4000  }
0x6b: {  	[tilespmem:s2], [sflag:$0x1] =	stream.linear.gather [hbm4b:s16+s2], $0xC000, $0x38;
	[tilespmem:$0x18000] =	vst v63  }
0x6c: {  	_ =	swait.ge [sflag:s21], $0xC000  }
0x6d: {  	[sflag:s21] =	ssyncset.done $0x0  }
0x6e: {  	[sflag:s21] =	ssyncadd.s32 $0xFFFF4000  }
0x6f: {  	[hbm4b:s13+s2] =	stream.linear.scatter [tilespmem:s2], [sflag:$0x3], $0xC000, $0x38;
	[tilespmem:$0x18000] =	vst v63  }
0x70: {  	_ = 	snop  }
0x71: {  	[hbm4b:s15+s2] =	stream.linear.scatter [tilespmem:s2], [sflag:$0x3], $0xC000, $0x38;
	[tilespmem:$0x18000] =	vst v63  }
0x72: {  	_ = 	snop  }
0x73: {  	[hbm4b:s12+s2] =	stream.linear.scatter [tilespmem:s2], [sflag:$0x3], $0xC000, $0x38;
	[tilespmem:$0x18000] =	vst v63  }
0x74: {  	_ = 	snop  }
0x75: {  	[hbm4b:s14+s2] =	stream.linear.scatter [tilespmem:s2], [sflag:$0x3], $0xC000, $0x38;
	[tilespmem:$0x18000] =	vst v63  }
0x76: {  	_ =	swait.ge [sflag:s3], $0xC000  }
0x77: {  	[sflag:s3] =	ssyncset.done $0x0  }
0x78: {  	[sflag:s3] =	ssyncadd.s32 $0xFFFF4000  }
0x79: {  	_ =	swait.ge [sflag:s3], $0xC000  }
0x7a: {  	[sflag:s3] =	ssyncset.done $0x0  }
0x7b: {  	[sflag:s3] =	ssyncadd.s32 $0xFFFF4000  }
0x7c: {  	_ =	swait.ge [sflag:s3], $0xC000  }
0x7d: {  	[sflag:s3] =	ssyncset.done $0x0  }
0x7e: {  	[sflag:s3] =	ssyncadd.s32 $0xFFFF4000  }
0x7f: {  	_ =	swait.ge [sflag:s3], $0xC000  }
0x80: {  	[sflag:s3] =	ssyncset.done $0x0  }
0x81: {  	[sflag:s3] =	ssyncadd.s32 $0xFFFF4000  }
0x82: {  	[tilespmem:s10], [sflag:$0x2] =	stream.linear.gather [hbm4b:s8+s2], $0x6000, $0x38;
	[tilespmem:$0x18000] =	vst v63  }
0x83: {  	_ =	swait.ge [sflag:s11], $0x6000  }
0x84: {  	[sflag:s11] =	ssyncset.done $0x0  }
0x85: {  	[sflag:s11] =	ssyncadd.s32 $0xFFFFA000  }
0x86: {  	[hbm4b:s5+s2] =	stream.linear.scatter [tilespmem:s10], [sflag:$0x4], $0x6000, $0x38;
	[tilespmem:$0x18000] =	vst v63  }
0x87: {  	_ = 	snop  }
0x88: {  	[hbm4b:s6+s2] =	stream.linear.scatter [tilespmem:s10], [sflag:$0x4], $0x6000, $0x38;
	[tilespmem:$0x18000] =	vst v63  }
0x89: {  	_ = 	snop  }
0x8a: {  	[hbm4b:s7+s2] =	stream.linear.scatter [tilespmem:s10], [sflag:$0x4], $0x6000, $0x38;
	[tilespmem:$0x18000] =	vst v63  }
0x8b: {  	_ = 	snop  }
0x8c: {  	[hbm4b:s9+s2] =	stream.linear.scatter [tilespmem:s10], [sflag:$0x4], $0x6000, $0x38;
	[tilespmem:$0x18000] =	vst v63  }
0x8d: {  	_ =	swait.ge [sflag:s4], $0xC000  }
0x8e: {  	[sflag:s4] =	ssyncset.done $0x0  }
0x8f: {  	[sflag:s4] =	ssyncadd.s32 $0xFFFF4000  }
0x90: {  	_ =	swait.ge [sflag:s4], $0xC000  }
0x91: {  	[sflag:s4] =	ssyncset.done $0x0  }
0x92: {  	[sflag:s4] =	ssyncadd.s32 $0xFFFF4000  }
0x93: {  	_ =	swait.ge [sflag:s4], $0xC000  }
0x94: {  	[sflag:s4] =	ssyncset.done $0x0  }
0x95: {  	[sflag:s4] =	ssyncadd.s32 $0xFFFF4000  }
0x96: {  	_ =	swait.ge [sflag:s4], $0xC000  }
0x97: {  	[sflag:s4] =	ssyncset.done $0x0  }
0x98: {  	[sflag:s4] =	ssyncadd.s32 $0xFFFF4000  }
0x99: {  	_ =	swait.ge [sflag:s3], $0x6000  }
0x9a: {  	[sflag:s3] =	ssyncset.done $0x0  }
0x9b: {  	[sflag:s3] =	ssyncadd.s32 $0xFFFFA000  }
0x9c: {  	_ =	swait.ge [sflag:s3], $0x6000  }
0x9d: {  	[sflag:s3] =	ssyncset.done $0x0  }
0x9e: {  	[sflag:s3] =	ssyncadd.s32 $0xFFFFA000  }
0x9f: {  	_ =	swait.ge [sflag:s3], $0x6000  }
0xa0: {  	s1 =	rddreg [dreg:$0xb]  }
0xa1: {  	p1 =	sne.s32 s1, $0x1  }
.Ltmp1:
0xa2: {  	_ = 	snop;
	(pc) =	sbr.rel @!p1 .LBB2_2-.Ltmp1, $4  }
0xa3: {  	[sflag:s3] =	ssyncset.done $0x0  }
0xa4: {  	[sflag:s3] =	ssyncadd.s32 $0xFFFFA000  }
0xa5: {  	p0 =	por $0x1, $0x1;
	_ =	swait.ge [sflag:s3], $0x6000;
	[dreg:$0xa] =	wrdreg s29  }
0xa6: {  	s1 =	sadd.s32 $0xFFFFFFFF, s1;
	s0 =	rddreg [dreg:$0x3];
	[sflag:s3] =	ssyncset.done $0x0  }
.LBB2_3:
0xa7: {  	[sflag:s3] =	ssyncadd.s32 $0xFFFFA000;
	s29 =	smov.u32 s31;
	s31 =	smov.u32 s30  }
0xa8: {  	s30 =	smov.u32 s28;
	s28 =	smov.u32 s26;
	s26 =	smov.u32 s25  }
0xa9: {  	s25 =	smov.u32 s24;
	s24 =	smov.u32 s23;
	s23 =	smov.u32 s22  }
0xaa: {  	s22 =	smov.u32 s20;
	s20 =	smov.u32 s19;
	s19 =	smov.u32 s18  }
0xab: {  	s18 =	smov.u32 s17;
	s17 =	smov.u32 s16;
	s16 =	smov.u32 s15  }
0xac: {  	s15 =	smov.u32 s14;
	s14 =	smov.u32 s13;
	s13 =	smov.u32 s12  }
0xad: {  	s12 =	smov.u32 s9;
	s9 =	smov.u32 s8;
	s8 =	smov.u32 s7  }
0xae: {  	[tilespmem:s2], [sflag:$0x1] =	stream.linear.gather [hbm4b:s0+s2], $0x1800, $0x38;
	[tilespmem:$0x18000] =	vst v63  }
0xaf: {  	s7 =	smov.u32 s6;
	s6 =	smov.u32 s5;
	s5 =	rddreg [dreg:$0x4]  }
0xb0: {  	[tilespmem:s10], [sflag:$0x2] =	stream.linear.gather [hbm4b:s5+s2], $0x4800, $0x38;
	[tilespmem:$0x18000] =	vst v63  }
0xb1: {  	_ =	swait.ge [sflag:s21], $0x1800  }
0xb2: {  	[sflag:s21] =	ssyncset.done $0x0  }
0xb3: {  	s5 =	rddreg [dreg:$0xa];
	[sflag:s21] =	ssyncadd.s32 $0xFFFFE800  }
0xb4: {  	[hbm4b:s5+s2] =	stream.linear.scatter [tilespmem:s2], [sflag:$0x3], $0x1800, $0x38;
	[tilespmem:$0x18000] =	vst v63  }
0xb5: {  	s0 =	rddreg [dreg:$0x5]  }
0xb6: {  	[hbm4b:s0+s2] =	stream.linear.scatter [tilespmem:s2], [sflag:$0x3], $0x1800, $0x38;
	[tilespmem:$0x18000] =	vst v63  }
0xb7: {  	s5 =	rddreg [dreg:$0x6]  }
0xb8: {  	[hbm4b:s5+s2] =	stream.linear.scatter [tilespmem:s2], [sflag:$0x3], $0x1800, $0x38;
	[tilespmem:$0x18000] =	vst v63  }
0xb9: {  	s0 =	rddreg [dreg:$0x7]  }
0xba: {  	[hbm4b:s0+s2] =	stream.linear.scatter [tilespmem:s2], [sflag:$0x3], $0x1800, $0x38;
	[tilespmem:$0x18000] =	vst v63  }
0xbb: {  	_ =	swait.ge [sflag:s11], $0x4800  }
0xbc: {  	[sflag:s11] =	ssyncset.done $0x0  }
0xbd: {  	s0 =	rddreg [dreg:$0x8];
	[sflag:s11] =	ssyncadd.s32 $0xFFFFB800  }
0xbe: {  	[hbm4b:s0+s2] =	stream.linear.scatter [tilespmem:s10], [sflag:$0x4], $0x4800, $0x38;
	[tilespmem:$0x18000] =	vst v63  }
0xbf: {  	s5 =	rddreg [dreg:$0x9]  }
0xc0: {  	[hbm4b:s5+s2] =	stream.linear.scatter [tilespmem:s10], [sflag:$0x4], $0x4800, $0x38;
	[tilespmem:$0x18000] =	vst v63  }
0xc1: {  	s5 =	smov.u32 s6;
	s6 =	smov.u32 s7;
	s7 =	smov.u32 s8  }
0xc2: {  	s8 =	smov.u32 s9;
	s9 =	smov.u32 s12;
	s12 =	smov.u32 s13  }
0xc3: {  	s13 =	smov.u32 s14;
	s14 =	smov.u32 s15;
	s15 =	smov.u32 s16  }
0xc4: {  	s16 =	smov.u32 s17;
	s17 =	smov.u32 s18;
	s18 =	smov.u32 s19  }
0xc5: {  	s19 =	smov.u32 s20;
	s20 =	smov.u32 s22;
	s22 =	smov.u32 s23  }
0xc6: {  	s23 =	smov.u32 s24;
	s24 =	smov.u32 s25;
	s25 =	smov.u32 s26  }
0xc7: {  	s26 =	smov.u32 s28;
	s28 =	smov.u32 s30;
	s30 =	smov.u32 s31  }
0xc8: {  	[hbm4b:s30+s2] =	stream.linear.scatter [tilespmem:s10], [sflag:$0x4], $0x4800, $0x38;
	[tilespmem:$0x18000] =	vst v63  }
0xc9: {  	_ = 	snop  }
0xca: {  	[hbm4b:s29+s2] =	stream.linear.scatter [tilespmem:s10], [sflag:$0x4], $0x4800, $0x38;
	[tilespmem:$0x18000] =	vst v63  }
0xcb: {  	_ =	swait.ge [sflag:s4], $0x1800  }
0xcc: {  	[sflag:s4] =	ssyncset.done $0x0  }
0xcd: {  	[sflag:s4] =	ssyncadd.s32 $0xFFFFE800  }
0xce: {  	_ =	swait.ge [sflag:s4], $0x1800  }
0xcf: {  	[sflag:s4] =	ssyncset.done $0x0  }
0xd0: {  	[sflag:s4] =	ssyncadd.s32 $0xFFFFE800  }
0xd1: {  	_ =	swait.ge [sflag:s4], $0x1800  }
0xd2: {  	[sflag:s4] =	ssyncset.done $0x0  }
0xd3: {  	[sflag:s4] =	ssyncadd.s32 $0xFFFFE800  }
0xd4: {  	_ =	swait.ge [sflag:s4], $0x1800  }
0xd5: {  	[sflag:s4] =	ssyncset.done $0x0  }
0xd6: {  	[sflag:s4] =	ssyncadd.s32 $0xFFFFE800  }
0xd7: {  	[tilespmem:s2], [sflag:$0x1] =	stream.linear.gather [hbm4b:s28+s2], $0xC000, $0x38;
	[tilespmem:$0x18000] =	vst v63  }
0xd8: {  	_ =	swait.ge [sflag:s21], $0xC000  }
0xd9: {  	[sflag:s21] =	ssyncset.done $0x0  }
0xda: {  	[sflag:s21] =	ssyncadd.s32 $0xFFFF4000  }
0xdb: {  	[hbm4b:s24+s2] =	stream.linear.scatter [tilespmem:s2], [sflag:$0x3], $0xC000, $0x38;
	[tilespmem:$0x18000] =	vst v63  }
0xdc: {  	_ = 	snop  }
0xdd: {  	[hbm4b:s26+s2] =	stream.linear.scatter [tilespmem:s2], [sflag:$0x3], $0xC000, $0x38;
	[tilespmem:$0x18000] =	vst v63  }
0xde: {  	_ = 	snop  }
0xdf: {  	[hbm4b:s23+s2] =	stream.linear.scatter [tilespmem:s2], [sflag:$0x3], $0xC000, $0x38;
	[tilespmem:$0x18000] =	vst v63  }
0xe0: {  	_ = 	snop  }
0xe1: {  	[hbm4b:s25+s2] =	stream.linear.scatter [tilespmem:s2], [sflag:$0x3], $0xC000, $0x38;
	[tilespmem:$0x18000] =	vst v63  }
0xe2: {  	_ =	swait.ge [sflag:s3], $0x4800  }
0xe3: {  	[sflag:s3] =	ssyncset.done $0x0  }
0xe4: {  	[sflag:s3] =	ssyncadd.s32 $0xFFFFB800  }
0xe5: {  	_ =	swait.ge [sflag:s3], $0x4800  }
0xe6: {  	[sflag:s3] =	ssyncset.done $0x0  }
0xe7: {  	[sflag:s3] =	ssyncadd.s32 $0xFFFFB800  }
0xe8: {  	_ =	swait.ge [sflag:s3], $0x4800  }
0xe9: {  	[sflag:s3] =	ssyncset.done $0x0  }
0xea: {  	[sflag:s3] =	ssyncadd.s32 $0xFFFFB800  }
0xeb: {  	_ =	swait.ge [sflag:s3], $0x4800  }
0xec: {  	[sflag:s3] =	ssyncset.done $0x0  }
0xed: {  	[sflag:s3] =	ssyncadd.s32 $0xFFFFB800  }
0xee: {  	[tilespmem:s10], [sflag:$0x2] =	stream.linear.gather [hbm4b:s22+s2], $0xC000, $0x38;
	[tilespmem:$0x18000] =	vst v63  }
0xef: {  	_ =	swait.ge [sflag:s11], $0xC000  }
0xf0: {  	[sflag:s11] =	ssyncset.done $0x0  }
0xf1: {  	[sflag:s11] =	ssyncadd.s32 $0xFFFF4000  }
0xf2: {  	[hbm4b:s18+s2] =	stream.linear.scatter [tilespmem:s10], [sflag:$0x4], $0xC000, $0x38;
	[tilespmem:$0x18000] =	vst v63  }
0xf3: {  	_ = 	snop  }
0xf4: {  	[hbm4b:s20+s2] =	stream.linear.scatter [tilespmem:s10], [sflag:$0x4], $0xC000, $0x38;
	[tilespmem:$0x18000] =	vst v63  }
0xf5: {  	_ = 	snop  }
0xf6: {  	[hbm4b:s17+s2] =	stream.linear.scatter [tilespmem:s10], [sflag:$0x4], $0xC000, $0x38;
	[tilespmem:$0x18000] =	vst v63  }
0xf7: {  	_ = 	snop  }
0xf8: {  	[hbm4b:s19+s2] =	stream.linear.scatter [tilespmem:s10], [sflag:$0x4], $0xC000, $0x38;
	[tilespmem:$0x18000] =	vst v63  }
0xf9: {  	_ =	swait.ge [sflag:s4], $0xC000  }
0xfa: {  	[sflag:s4] =	ssyncset.done $0x0  }
0xfb: {  	[sflag:s4] =	ssyncadd.s32 $0xFFFF4000  }
0xfc: {  	_ =	swait.ge [sflag:s4], $0xC000  }
0xfd: {  	[sflag:s4] =	ssyncset.done $0x0  }
0xfe: {  	[sflag:s4] =	ssyncadd.s32 $0xFFFF4000  }
0xff: {  	_ =	swait.ge [sflag:s4], $0xC000  }
0x100: {  	[sflag:s4] =	ssyncset.done $0x0  }
0x101: {  	[sflag:s4] =	ssyncadd.s32 $0xFFFF4000  }
0x102: {  	_ =	swait.ge [sflag:s4], $0xC000  }
0x103: {  	[sflag:s4] =	ssyncset.done $0x0  }
0x104: {  	[sflag:s4] =	ssyncadd.s32 $0xFFFF4000  }
0x105: {  	[tilespmem:s2], [sflag:$0x1] =	stream.linear.gather [hbm4b:s16+s2], $0xC000, $0x38;
	[tilespmem:$0x18000] =	vst v63  }
0x106: {  	_ =	swait.ge [sflag:s21], $0xC000  }
0x107: {  	[sflag:s21] =	ssyncset.done $0x0  }
0x108: {  	[sflag:s21] =	ssyncadd.s32 $0xFFFF4000  }
0x109: {  	[hbm4b:s13+s2] =	stream.linear.scatter [tilespmem:s2], [sflag:$0x3], $0xC000, $0x38;
	[tilespmem:$0x18000] =	vst v63  }
0x10a: {  	_ = 	snop  }
0x10b: {  	[hbm4b:s15+s2] =	stream.linear.scatter [tilespmem:s2], [sflag:$0x3], $0xC000, $0x38;
	[tilespmem:$0x18000] =	vst v63  }
0x10c: {  	_ = 	snop  }
0x10d: {  	[hbm4b:s12+s2] =	stream.linear.scatter [tilespmem:s2], [sflag:$0x3], $0xC000, $0x38;
	[tilespmem:$0x18000] =	vst v63  }
0x10e: {  	_ = 	snop  }
0x10f: {  	[hbm4b:s14+s2] =	stream.linear.scatter [tilespmem:s2], [sflag:$0x3], $0xC000, $0x38;
	[tilespmem:$0x18000] =	vst v63  }
0x110: {  	_ =	swait.ge [sflag:s3], $0xC000  }
0x111: {  	[sflag:s3] =	ssyncset.done $0x0  }
0x112: {  	[sflag:s3] =	ssyncadd.s32 $0xFFFF4000  }
0x113: {  	_ =	swait.ge [sflag:s3], $0xC000  }
0x114: {  	[sflag:s3] =	ssyncset.done $0x0  }
0x115: {  	[sflag:s3] =	ssyncadd.s32 $0xFFFF4000  }
0x116: {  	_ =	swait.ge [sflag:s3], $0xC000  }
0x117: {  	[sflag:s3] =	ssyncset.done $0x0  }
0x118: {  	[sflag:s3] =	ssyncadd.s32 $0xFFFF4000  }
0x119: {  	_ =	swait.ge [sflag:s3], $0xC000  }
0x11a: {  	[sflag:s3] =	ssyncset.done $0x0  }
0x11b: {  	[sflag:s3] =	ssyncadd.s32 $0xFFFF4000  }
0x11c: {  	[tilespmem:s10], [sflag:$0x2] =	stream.linear.gather [hbm4b:s8+s2], $0x6000, $0x38;
	[tilespmem:$0x18000] =	vst v63  }
0x11d: {  	_ =	swait.ge [sflag:s11], $0x6000  }
0x11e: {  	[sflag:s11] =	ssyncset.done $0x0  }
0x11f: {  	[sflag:s11] =	ssyncadd.s32 $0xFFFFA000  }
0x120: {  	[hbm4b:s5+s2] =	stream.linear.scatter [tilespmem:s10], [sflag:$0x4], $0x6000, $0x38;
	[tilespmem:$0x18000] =	vst v63  }
0x121: {  	_ = 	snop  }
0x122: {  	[hbm4b:s6+s2] =	stream.linear.scatter [tilespmem:s10], [sflag:$0x4], $0x6000, $0x38;
	[tilespmem:$0x18000] =	vst v63  }
0x123: {  	_ = 	snop  }
0x124: {  	[hbm4b:s7+s2] =	stream.linear.scatter [tilespmem:s10], [sflag:$0x4], $0x6000, $0x38;
	[tilespmem:$0x18000] =	vst v63  }
0x125: {  	_ = 	snop  }
0x126: {  	[hbm4b:s9+s2] =	stream.linear.scatter [tilespmem:s10], [sflag:$0x4], $0x6000, $0x38;
	[tilespmem:$0x18000] =	vst v63  }
0x127: {  	_ =	swait.ge [sflag:s4], $0xC000  }
0x128: {  	[sflag:s4] =	ssyncset.done $0x0  }
0x129: {  	[sflag:s4] =	ssyncadd.s32 $0xFFFF4000  }
0x12a: {  	_ =	swait.ge [sflag:s4], $0xC000  }
0x12b: {  	[sflag:s4] =	ssyncset.done $0x0  }
0x12c: {  	[sflag:s4] =	ssyncadd.s32 $0xFFFF4000  }
0x12d: {  	_ =	swait.ge [sflag:s4], $0xC000  }
0x12e: {  	[sflag:s4] =	ssyncset.done $0x0  }
0x12f: {  	[sflag:s4] =	ssyncadd.s32 $0xFFFF4000  }
0x130: {  	_ =	swait.ge [sflag:s4], $0xC000  }
0x131: {  	[sflag:s4] =	ssyncset.done $0x0  }
0x132: {  	[sflag:s4] =	ssyncadd.s32 $0xFFFF4000  }
0x133: {  	_ =	swait.ge [sflag:s3], $0x6000  }
0x134: {  	[sflag:s3] =	ssyncset.done $0x0  }
0x135: {  	[sflag:s3] =	ssyncadd.s32 $0xFFFFA000  }
0x136: {  	_ =	swait.ge [sflag:s3], $0x6000  }
0x137: {  	[sflag:s3] =	ssyncset.done $0x0  }
0x138: {  	p1 =	sne.s32 s1, $0x1;
	[sflag:s3] =	ssyncadd.s32 $0xFFFFA000  }
.Ltmp2:
0x139: {  	_ =	swait.ge [sflag:s3], $0x6000;
	(pc) =	sbr.rel @p1 .LBB2_3-.Ltmp2, $4  }
0x13a: {  	[sflag:s3] =	ssyncset.done $0x0  }
0x13b: {  	[sflag:s3] =	ssyncadd.s32 $0xFFFFA000  }
0x13c: {  	s1 =	sadd.s32 $0xFFFFFFFF, s1;
	_ =	swait.ge [sflag:s3], $0x6000  }
0x13d: {  	s31 =	smov.u32 s29;
	s0 =	rddreg [dreg:$0x3];
	[sflag:s3] =	ssyncset.done $0x0  }
0x13e: {  	s29 =	rddreg [dreg:$0xa]  }
.LBB2_5:
0x13f: {  	[sflag:s3] =	ssyncadd.s32 @p0 $0xFFFFA000  }
0x140: {  	[tilespmem:s2], [sflag:$0x1] =	stream.linear.gather [hbm4b:s0+s2], $0x1800, $0x38;
	[tilespmem:$0x18000] =	vst v63  }
0x141: {  	s1 =	rddreg [dreg:$0x4]  }
0x142: {  	[tilespmem:s10], [sflag:$0x2] =	stream.linear.gather [hbm4b:s1+s2], $0x4800, $0x38;
	[tilespmem:$0x18000] =	vst v63  }
0x143: {  	_ =	swait.ge [sflag:s21], $0x1800  }
0x144: {  	[sflag:s21] =	ssyncset.done $0x0  }
0x145: {  	[sflag:s21] =	ssyncadd.s32 $0xFFFFE800  }
0x146: {  	[hbm4b:s29+s2] =	stream.linear.scatter [tilespmem:s2], [sflag:$0x3], $0x1800, $0x38;
	[tilespmem:$0x18000] =	vst v63  }
0x147: {  	s0 =	rddreg [dreg:$0x5]  }
0x148: {  	[hbm4b:s0+s2] =	stream.linear.scatter [tilespmem:s2], [sflag:$0x3], $0x1800, $0x38;
	[tilespmem:$0x18000] =	vst v63  }
0x149: {  	s1 =	rddreg [dreg:$0x6]  }
0x14a: {  	[hbm4b:s1+s2] =	stream.linear.scatter [tilespmem:s2], [sflag:$0x3], $0x1800, $0x38;
	[tilespmem:$0x18000] =	vst v63  }
0x14b: {  	s29 =	rddreg [dreg:$0x7]  }
0x14c: {  	[hbm4b:s29+s2] =	stream.linear.scatter [tilespmem:s2], [sflag:$0x3], $0x1800, $0x38;
	[tilespmem:$0x18000] =	vst v63  }
0x14d: {  	_ =	swait.ge [sflag:s11], $0x4800  }
0x14e: {  	[sflag:s11] =	ssyncset.done $0x0  }
0x14f: {  	s1 =	rddreg [dreg:$0x8];
	[sflag:s11] =	ssyncadd.s32 $0xFFFFB800  }
0x150: {  	[hbm4b:s1+s2] =	stream.linear.scatter [tilespmem:s10], [sflag:$0x4], $0x4800, $0x38;
	[tilespmem:$0x18000] =	vst v63  }
0x151: {  	s29 =	rddreg [dreg:$0x9]  }
0x152: {  	[hbm4b:s29+s2] =	stream.linear.scatter [tilespmem:s10], [sflag:$0x4], $0x4800, $0x38;
	[tilespmem:$0x18000] =	vst v63  }
0x153: {  	_ = 	snop  }
0x154: {  	[hbm4b:s30+s2] =	stream.linear.scatter [tilespmem:s10], [sflag:$0x4], $0x4800, $0x38;
	[tilespmem:$0x18000] =	vst v63  }
0x155: {  	_ = 	snop  }
0x156: {  	[hbm4b:s31+s2] =	stream.linear.scatter [tilespmem:s10], [sflag:$0x4], $0x4800, $0x38;
	[tilespmem:$0x18000] =	vst v63  }
0x157: {  	_ =	swait.ge [sflag:s4], $0x1800  }
0x158: {  	[sflag:s4] =	ssyncset.done $0x0  }
0x159: {  	[sflag:s4] =	ssyncadd.s32 $0xFFFFE800  }
0x15a: {  	_ =	swait.ge [sflag:s4], $0x1800  }
0x15b: {  	[sflag:s4] =	ssyncset.done $0x0  }
0x15c: {  	[sflag:s4] =	ssyncadd.s32 $0xFFFFE800  }
0x15d: {  	_ =	swait.ge [sflag:s4], $0x1800  }
0x15e: {  	[sflag:s4] =	ssyncset.done $0x0  }
0x15f: {  	[sflag:s4] =	ssyncadd.s32 $0xFFFFE800  }
0x160: {  	_ =	swait.ge [sflag:s4], $0x1800  }
0x161: {  	[sflag:s4] =	ssyncset.done $0x0  }
0x162: {  	[sflag:s4] =	ssyncadd.s32 $0xFFFFE800  }
0x163: {  	[tilespmem:s2], [sflag:$0x1] =	stream.linear.gather [hbm4b:s28+s2], $0xC000, $0x38;
	[tilespmem:$0x18000] =	vst v63  }
0x164: {  	_ =	swait.ge [sflag:s21], $0xC000  }
0x165: {  	[sflag:s21] =	ssyncset.done $0x0  }
0x166: {  	[sflag:s21] =	ssyncadd.s32 $0xFFFF4000  }
0x167: {  	[hbm4b:s24+s2] =	stream.linear.scatter [tilespmem:s2], [sflag:$0x3], $0xC000, $0x38;
	[tilespmem:$0x18000] =	vst v63  }
0x168: {  	_ = 	snop  }
0x169: {  	[hbm4b:s26+s2] =	stream.linear.scatter [tilespmem:s2], [sflag:$0x3], $0xC000, $0x38;
	[tilespmem:$0x18000] =	vst v63  }
0x16a: {  	_ = 	snop  }
0x16b: {  	[hbm4b:s23+s2] =	stream.linear.scatter [tilespmem:s2], [sflag:$0x3], $0xC000, $0x38;
	[tilespmem:$0x18000] =	vst v63  }
0x16c: {  	_ = 	snop  }
0x16d: {  	[hbm4b:s25+s2] =	stream.linear.scatter [tilespmem:s2], [sflag:$0x3], $0xC000, $0x38;
	[tilespmem:$0x18000] =	vst v63  }
0x16e: {  	_ =	swait.ge [sflag:s3], $0x4800  }
0x16f: {  	[sflag:s3] =	ssyncset.done $0x0  }
0x170: {  	[sflag:s3] =	ssyncadd.s32 $0xFFFFB800  }
0x171: {  	_ =	swait.ge [sflag:s3], $0x4800  }
0x172: {  	[sflag:s3] =	ssyncset.done $0x0  }
0x173: {  	[sflag:s3] =	ssyncadd.s32 $0xFFFFB800  }
0x174: {  	_ =	swait.ge [sflag:s3], $0x4800  }
0x175: {  	[sflag:s3] =	ssyncset.done $0x0  }
0x176: {  	[sflag:s3] =	ssyncadd.s32 $0xFFFFB800  }
0x177: {  	_ =	swait.ge [sflag:s3], $0x4800  }
0x178: {  	[sflag:s3] =	ssyncset.done $0x0  }
0x179: {  	[sflag:s3] =	ssyncadd.s32 $0xFFFFB800  }
0x17a: {  	[tilespmem:s10], [sflag:$0x2] =	stream.linear.gather [hbm4b:s22+s2], $0xC000, $0x38;
	[tilespmem:$0x18000] =	vst v63  }
0x17b: {  	_ =	swait.ge [sflag:s11], $0xC000  }
0x17c: {  	[sflag:s11] =	ssyncset.done $0x0  }
0x17d: {  	[sflag:s11] =	ssyncadd.s32 $0xFFFF4000  }
0x17e: {  	[hbm4b:s18+s2] =	stream.linear.scatter [tilespmem:s10], [sflag:$0x4], $0xC000, $0x38;
	[tilespmem:$0x18000] =	vst v63  }
0x17f: {  	_ = 	snop  }
0x180: {  	[hbm4b:s20+s2] =	stream.linear.scatter [tilespmem:s10], [sflag:$0x4], $0xC000, $0x38;
	[tilespmem:$0x18000] =	vst v63  }
0x181: {  	_ = 	snop  }
0x182: {  	[hbm4b:s17+s2] =	stream.linear.scatter [tilespmem:s10], [sflag:$0x4], $0xC000, $0x38;
	[tilespmem:$0x18000] =	vst v63  }
0x183: {  	_ = 	snop  }
0x184: {  	[hbm4b:s19+s2] =	stream.linear.scatter [tilespmem:s10], [sflag:$0x4], $0xC000, $0x38;
	[tilespmem:$0x18000] =	vst v63  }
0x185: {  	_ =	swait.ge [sflag:s4], $0xC000  }
0x186: {  	[sflag:s4] =	ssyncset.done $0x0  }
0x187: {  	[sflag:s4] =	ssyncadd.s32 $0xFFFF4000  }
0x188: {  	_ =	swait.ge [sflag:s4], $0xC000  }
0x189: {  	[sflag:s4] =	ssyncset.done $0x0  }
0x18a: {  	[sflag:s4] =	ssyncadd.s32 $0xFFFF4000  }
0x18b: {  	_ =	swait.ge [sflag:s4], $0xC000  }
0x18c: {  	[sflag:s4] =	ssyncset.done $0x0  }
0x18d: {  	[sflag:s4] =	ssyncadd.s32 $0xFFFF4000  }
0x18e: {  	_ =	swait.ge [sflag:s4], $0xC000  }
0x18f: {  	[sflag:s4] =	ssyncset.done $0x0  }
0x190: {  	[sflag:s4] =	ssyncadd.s32 $0xFFFF4000  }
0x191: {  	[tilespmem:s2], [sflag:$0x1] =	stream.linear.gather [hbm4b:s16+s2], $0xC000, $0x38;
	[tilespmem:$0x18000] =	vst v63  }
0x192: {  	_ =	swait.ge [sflag:s21], $0xC000  }
0x193: {  	[sflag:s21] =	ssyncset.done $0x0  }
0x194: {  	[sflag:s21] =	ssyncadd.s32 $0xFFFF4000  }
0x195: {  	[hbm4b:s13+s2] =	stream.linear.scatter [tilespmem:s2], [sflag:$0x3], $0xC000, $0x38;
	[tilespmem:$0x18000] =	vst v63  }
0x196: {  	_ = 	snop  }
0x197: {  	[hbm4b:s15+s2] =	stream.linear.scatter [tilespmem:s2], [sflag:$0x3], $0xC000, $0x38;
	[tilespmem:$0x18000] =	vst v63  }
0x198: {  	_ = 	snop  }
0x199: {  	[hbm4b:s12+s2] =	stream.linear.scatter [tilespmem:s2], [sflag:$0x3], $0xC000, $0x38;
	[tilespmem:$0x18000] =	vst v63  }
0x19a: {  	_ = 	snop  }
0x19b: {  	[hbm4b:s14+s2] =	stream.linear.scatter [tilespmem:s2], [sflag:$0x3], $0xC000, $0x38;
	[tilespmem:$0x18000] =	vst v63  }
0x19c: {  	_ =	swait.ge [sflag:s3], $0xC000  }
0x19d: {  	[sflag:s3] =	ssyncset.done $0x0  }
0x19e: {  	[sflag:s3] =	ssyncadd.s32 $0xFFFF4000  }
0x19f: {  	_ =	swait.ge [sflag:s3], $0xC000  }
0x1a0: {  	[sflag:s3] =	ssyncset.done $0x0  }
0x1a1: {  	[sflag:s3] =	ssyncadd.s32 $0xFFFF4000  }
0x1a2: {  	_ =	swait.ge [sflag:s3], $0xC000  }
0x1a3: {  	[sflag:s3] =	ssyncset.done $0x0  }
0x1a4: {  	[sflag:s3] =	ssyncadd.s32 $0xFFFF4000  }
0x1a5: {  	_ =	swait.ge [sflag:s3], $0xC000  }
0x1a6: {  	[sflag:s3] =	ssyncset.done $0x0  }
0x1a7: {  	[sflag:s3] =	ssyncadd.s32 $0xFFFF4000  }
0x1a8: {  	[tilespmem:s10], [sflag:$0x2] =	stream.linear.gather [hbm4b:s8+s2], $0x6000, $0x38;
	[tilespmem:$0x18000] =	vst v63  }
0x1a9: {  	_ =	swait.ge [sflag:s11], $0x6000  }
0x1aa: {  	[sflag:s11] =	ssyncset.done $0x0  }
0x1ab: {  	[sflag:s11] =	ssyncadd.s32 $0xFFFFA000  }
0x1ac: {  	[hbm4b:s5+s2] =	stream.linear.scatter [tilespmem:s10], [sflag:$0x4], $0x6000, $0x38;
	[tilespmem:$0x18000] =	vst v63  }
0x1ad: {  	_ = 	snop  }
0x1ae: {  	[hbm4b:s6+s2] =	stream.linear.scatter [tilespmem:s10], [sflag:$0x4], $0x6000, $0x38;
	[tilespmem:$0x18000] =	vst v63  }
0x1af: {  	_ = 	snop  }
0x1b0: {  	[hbm4b:s7+s2] =	stream.linear.scatter [tilespmem:s10], [sflag:$0x4], $0x6000, $0x38;
	[tilespmem:$0x18000] =	vst v63  }
0x1b1: {  	_ = 	snop  }
0x1b2: {  	[hbm4b:s9+s2] =	stream.linear.scatter [tilespmem:s10], [sflag:$0x4], $0x6000, $0x38;
	[tilespmem:$0x18000] =	vst v63  }
0x1b3: {  	_ =	swait.ge [sflag:s4], $0xC000  }
0x1b4: {  	[sflag:s4] =	ssyncset.done $0x0  }
0x1b5: {  	[sflag:s4] =	ssyncadd.s32 $0xFFFF4000  }
0x1b6: {  	_ =	swait.ge [sflag:s4], $0xC000  }
0x1b7: {  	[sflag:s4] =	ssyncset.done $0x0  }
0x1b8: {  	[sflag:s4] =	ssyncadd.s32 $0xFFFF4000  }
0x1b9: {  	_ =	swait.ge [sflag:s4], $0xC000  }
0x1ba: {  	[sflag:s4] =	ssyncset.done $0x0  }
0x1bb: {  	[sflag:s4] =	ssyncadd.s32 $0xFFFF4000  }
0x1bc: {  	_ =	swait.ge [sflag:s4], $0xC000  }
0x1bd: {  	[sflag:s4] =	ssyncset.done $0x0  }
0x1be: {  	[sflag:s4] =	ssyncadd.s32 $0xFFFF4000  }
0x1bf: {  	_ =	swait.ge [sflag:s3], $0x6000  }
0x1c0: {  	[sflag:s3] =	ssyncset.done $0x0  }
0x1c1: {  	[sflag:s3] =	ssyncadd.s32 $0xFFFFA000  }
0x1c2: {  	_ =	swait.ge [sflag:s3], $0x6000  }
0x1c3: {  	[sflag:s3] =	ssyncset.done $0x0  }
0x1c4: {  	[sflag:s3] =	ssyncadd.s32 $0xFFFFA000  }
0x1c5: {  	_ =	swait.ge [sflag:s3], $0x6000  }
0x1c6: {  	[sflag:s3] =	ssyncset.done $0x0  }
0x1c7: {  	[sflag:s3] =	ssyncadd.s32 $0xFFFFA000  }
0x1c8: {  	_ =	swait.ge [sflag:s3], $0x6000  }
0x1c9: {  	[sflag:s3] =	ssyncset.done $0x0  }
0x1ca: {  	[sflag:s3] =	ssyncadd.s32 $0xFFFFA000  }
0x1cb: {  	_ =	sfence.sel $0x180000  }
0x1cc: {  	[bflag:$0x0] =	sbarrier.arrive $0xFFFF  }
0x1cd: {  	_ =	strace $0x90000047  }
0x1ce: {  	s31 =	stileid.u32;
	[bflag:$0x2] =	sbarrier.arrive $0xFFFF  }
0x1cf: {  	p0 =	sne.s32 s31, $0x0;
	s0 =	rddreg [dreg:$0x2]  }
0x1d0: {  	s0 =	sadd.s32 @!p0 $0x100000, s0  }
0x1d1: {  	[sflag:s0] =	ssyncadd.tile.s32 @!p0 $0x1;
	_ =	shalt  }
.LBB2_2:
.Ltmp3:
0x1d2: {  	(pc) =	sbr.rel .LBB2_5-.Ltmp3, $2  }
0x1d3: {  	_ =	sdelay $0x2  }
0x1d4: {  	s29 =	rddreg [dreg:$0xa]  }
.Lfunc_end2:
_tile_overlayer_lowered:
.L_overlay_start_2:
0x1d5: {  	(tag) =	ssettag $0x2  }
0x1d6: {  	s0 =	rddreg [dreg:$0x0];
	s2 =	stileid.u32  }
0x1d7: {  	s1 =	rddreg [dreg:$0x1];
	p0 =	sne.s32 s2, $0x0  }
0x1d8: {  	s3 =	rddreg [dreg:$0x2];
	[bflag:$0x3] =	sbarrier.arrive $0xFFFF;
	s2 =	simm.s32 @!p0 $0x1C05  }
0x1d9: {  	[timem:s3], [sflag:s2] =	dma.local @!p0 [hbm:s0], s1  }
0x1da: {  	s0 =	simm.s32 @!p0 $0x5  }
0x1db: {  	_ =	swait.ge @!p0 [sflag:s0], s1  }
0x1dc: {  	s1 =	ssub.s32 @!p0 $0x0, s1;
	[sflag:s0] =	ssyncset.done @!p0 $0x0  }
0x1dd: {  	[sflag:s0] =	ssyncadd.s32 @!p0 s1  }
0x1de: {  	[bflag:$0x3] =	sbarrier.arrive $0xFFFF  }
0x1df: {  	_ =	shalt  }

</sc_bundles>
